<compile_context>
chip_gen: v7x
topology: tpu7x:2x2x1
jax: 0.10.2.dev20260603
libtpu: 0.0.44.dev20260713+nightly
codegen_flags: <defaults>
</compile_context>

<pallas_src>
import functools

import jax
import jax.numpy as jnp
from jax import lax
from jax.experimental import pallas as pl
from jax.experimental.pallas import tpu as pltpu
from jax.experimental.pallas import tpu_sc as plsc

_B = 4
_ROWS = 8192
_COLS = 2048
_RT = 4608
_TC_BLK = 512

_NW = 32
_WORKERS_PER_SAMPLE = _NW // _B
_SC_ROWS = _ROWS - _RT
_W_ROWS = _SC_ROWS // _WORKERS_PER_SAMPLE
_CH_ROWS = 8
_NCHUNK = _W_ROWS // _CH_ROWS
_STEP = 128



def _tc_body(var_ref, ab_ref, out_ref):
    j = pl.program_id(1)

    @pl.when(j == 0)
    def _init():
        out_ref[...] = jnp.zeros_like(out_ref)

    v = var_ref[0]
    a = ab_ref[0]
    d = jnp.where(a != 0, v - a, 0.0)
    dd = d * d
    p = jnp.sum(dd, axis=0).reshape(16, 128).sum(axis=0)
    out_ref[0, 0, :] += p


def _tc_loss(var, ab, row0, nrows):
    blk0 = row0 // _TC_BLK
    partial = pl.pallas_call(
        _tc_body,
        grid=(_B, nrows // _TC_BLK),
        in_specs=[
            pl.BlockSpec((1, _TC_BLK, _COLS), lambda b, j: (b, j + blk0, 0)),
            pl.BlockSpec((1, _TC_BLK, _COLS), lambda b, j: (b, j + blk0, 0)),
        ],
        out_specs=pl.BlockSpec((1, 1, 128), lambda b, j: (b, 0, 0)),
        out_shape=jax.ShapeDtypeStruct((_B, 1, 128), jnp.float32),
    )(var, ab)
    return jnp.sum(partial, axis=(1, 2))



def _chunk_sum(buf_v, buf_a, acc):

    steps_per_row = _COLS // _STEP

    def body(i, acc):
        row = i // steps_per_row
        col = (i % steps_per_row) * _STEP
        for k in range(_STEP // 16):
            v = buf_v[row, pl.ds(col + k * 16, 16)]
            a = buf_a[row, pl.ds(col + k * 16, 16)]
            d = jnp.where(a == 0.0, a, v) - a
            acc = acc + d * d
        return acc

    return lax.fori_loop(0, _CH_ROWS * steps_per_row, body, acc)


def _sc_loss_body(var_hbm, ab_hbm, out_hbm, vbuf, abuf, obuf, sv0, sv1, sa0, sa1):
    wid = lax.axis_index("s") * 2 + lax.axis_index("c")
    b = wid // _WORKERS_PER_SAMPLE
    row0 = _RT + (wid % _WORKERS_PER_SAMPLE) * _W_ROWS

    sems = (sv0, sv1, sa0, sa1)

    def start(chunk, slot):
        r = row0 + chunk * _CH_ROWS
        pltpu.make_async_copy(var_hbm.at[b, pl.ds(r, _CH_ROWS)], vbuf.at[slot],
                              sems[slot]).start()
        pltpu.make_async_copy(ab_hbm.at[b, pl.ds(r, _CH_ROWS)], abuf.at[slot],
                              sems[2 + slot]).start()

    def wait(chunk, slot):
        r = row0 + chunk * _CH_ROWS
        pltpu.make_async_copy(var_hbm.at[b, pl.ds(r, _CH_ROWS)], vbuf.at[slot],
                              sems[slot]).wait()
        pltpu.make_async_copy(ab_hbm.at[b, pl.ds(r, _CH_ROWS)], abuf.at[slot],
                              sems[2 + slot]).wait()

    start(0, 0)

    def outer(t, acc):
        g0 = 2 * t
        start(g0 + 1, 1)
        wait(g0, 0)
        acc = _chunk_sum(vbuf.at[0], abuf.at[0], acc)

        @pl.when(t + 1 < _NCHUNK // 2)
        def _():
            start(g0 + 2, 0)

        wait(g0 + 1, 1)
        acc = _chunk_sum(vbuf.at[1], abuf.at[1], acc)
        return acc

    acc = lax.fori_loop(0, _NCHUNK // 2, outer, jnp.zeros((16,), jnp.float32))

    zero = jnp.zeros((16,), jnp.float32)
    obuf[pl.ds(0, 16)] = acc
    for k in range(1, 8):
        obuf[pl.ds(k * 16, 16)] = zero
    pltpu.make_async_copy(obuf, out_hbm.at[wid], sv0).start()
    pltpu.make_async_copy(obuf, out_hbm.at[wid], sv0).wait()


_sc_loss = functools.partial(
    pl.kernel,
    mesh=plsc.VectorSubcoreMesh(core_axis_name="c", subcore_axis_name="s"),
    out_type=jax.ShapeDtypeStruct((_NW, 128), jnp.float32),
    scratch_types=[
        pltpu.VMEM((2, _CH_ROWS, _COLS), jnp.float32),
        pltpu.VMEM((2, _CH_ROWS, _COLS), jnp.float32),
        pltpu.VMEM((128,), jnp.float32),
        pltpu.SemaphoreType.DMA,
        pltpu.SemaphoreType.DMA,
        pltpu.SemaphoreType.DMA,
        pltpu.SemaphoreType.DMA,
    ],
    compiler_params=pltpu.CompilerParams(use_tc_tiling_on_sc=True),
)(_sc_loss_body)


def kernel(var, ab):
    sc_partial = _sc_loss(var, ab)
    tc_partial = _tc_loss(var, ab, 0, _RT)
    sc = jnp.sum(sc_partial.reshape(_B, _WORKERS_PER_SAMPLE, 128), axis=(1, 2))
    return tc_partial + sc

# --- scband reference (transcript-rebuilt; emitter-appended) ---
"""Pipeline reference for scband-loss-43336220016842 (READ-ONLY COPY).

The authoritative reference and input builder live on the scoring server;
editing this copy changes nothing except your own understanding.
"""

import jax, jax.numpy as jnp
import numpy as np


def setup_inputs(seed: int = 0) -> dict:
    key = jax.random.key(seed)
    k1, k2 = jax.random.split(key)
    var = jax.random.normal(k1, (4, 8192, 2048), dtype=jnp.float32)
    ab = jax.random.normal(k2, (4, 8192, 2048), dtype=jnp.float32)
    return {"var": var, "ab": ab}


def reference(var, ab):
    # For each sample i along the leading dim: mask = ab[i] != 0,
    # loss_i = sum((var[i][mask] - ab[i][mask])**2) (MSELoss reduction='sum').
    # Equivalent dense form: zero out masked-off positions before summing.
    mask = ab != 0
    diff = jnp.where(mask, var - ab, 0.0)
    # sum over all non-batch dims -> one scalar per sample, concatenated -> [B]
    axes = tuple(range(1, var.ndim))
    loss = jnp.sum(diff * diff, axis=axes)
    return loss

if __name__ == "__main__":
    import jax
    _d = setup_inputs()
    print(jax.jit(kernel)(*tuple(_d.values())))

</pallas_src>

<mosaic_0001>
#map = affine_map<(d0, d1) -> (0, 0, 0)>
#map1 = affine_map<(d0, d1) -> (0, 0)>
module attributes {stable_mosaic.version = 14 : i64} {
  func.func @_sc_loss_body(%arg0: i32, %arg1: i32, %arg2: memref<4x8192x2048xf32, #tpu.memory_space<hbm>>, %arg3: memref<4x8192x2048xf32, #tpu.memory_space<hbm>>, %arg4: memref<32x128xf32, #tpu.memory_space<hbm>>, %arg5: memref<2x8x2048xf32, #tpu.memory_space<vmem>>, %arg6: memref<2x8x2048xf32, #tpu.memory_space<vmem>>, %arg7: memref<128xf32, #tpu.memory_space<vmem>>, %arg8: memref<!tpu.dma_semaphore, #tpu.memory_space<semaphore_mem>>, %arg9: memref<!tpu.dma_semaphore, #tpu.memory_space<semaphore_mem>>, %arg10: memref<!tpu.dma_semaphore, #tpu.memory_space<semaphore_mem>>, %arg11: memref<!tpu.dma_semaphore, #tpu.memory_space<semaphore_mem>>) attributes {dimension_semantics = [#tpu.dimension_semantics<core_parallel>, #tpu.dimension_semantics<subcore_parallel>], iteration_bounds = array<i64: 2, 16>, scalar_prefetch = 0 : i64, scratch_operands = 7 : i64, tpu.core_type = #tpu.core_type<sc_vector_subcore>, window_params = [{transform_indices = #map}, {transform_indices = #map}, {transform_indices = #map1}]} {
    %mul3A = arith.constant 2 : i32
    %mul3A_0 = arith.muli %arg1, %mul3A : i32
    %add3A = arith.addi %mul3A_0, %arg0 : i32
    %jit3A = arith.constant 8 : i32
    %div3A = arith.divsi %add3A, %jit3A : i32
    %sign3A = arith.constant 0 : i32
    %sign3A_1 = arith.cmpi sgt, %add3A, %sign3A : i32
    %sign3A_2 = arith.extui %sign3A_1 : i1 to i32
    %sign3A_3 = arith.constant 0 : i32
    %sign3A_4 = arith.cmpi slt, %add3A, %sign3A_3 : i32
    %sign3A_5 = arith.extui %sign3A_4 : i1 to i32
    %sign3A_6 = arith.subi %sign3A_2, %sign3A_5 : i32
    %sign3A_7 = arith.constant 0 : i32
    %sign3A_8 = arith.cmpi sgt, %jit3A, %sign3A_7 : i32
    %sign3A_9 = arith.extui %sign3A_8 : i1 to i32
    %sign3A_10 = arith.constant 0 : i32
    %sign3A_11 = arith.cmpi slt, %jit3A, %sign3A_10 : i32
    %sign3A_12 = arith.extui %sign3A_11 : i1 to i32
    %sign3A_13 = arith.subi %sign3A_9, %sign3A_12 : i32
    %ne3A = arith.cmpi ne, %sign3A_6, %sign3A_13 : i32
    %rem3A = arith.remsi %add3A, %jit3A : i32
    %ne3A_14 = arith.constant 0 : i32
    %ne3A_15 = arith.cmpi ne, %rem3A, %ne3A_14 : i32
    %and3A = arith.andi %ne3A, %ne3A_15 : i1
    %sub3A = arith.constant 1 : i32
    %sub3A_16 = arith.subi %div3A, %sub3A : i32
    %select_n3A = arith.select %and3A, %sub3A_16, %div3A : i32
    %jit3A_17 = arith.constant 8 : i32
    %eq3A = arith.constant 0 : i32
    %eq3A_18 = arith.cmpi eq, %jit3A_17, %eq3A : i32
    %jit3A_19 = arith.constant 1 : i32
    %select_n3A_20 = arith.select %eq3A_18, %jit3A_19, %jit3A_17 : i32
    %rem3A_21 = arith.remsi %add3A, %select_n3A_20 : i32
    %ne3A_22 = arith.constant 0 : i32
    %ne3A_23 = arith.cmpi ne, %rem3A_21, %ne3A_22 : i32
    %lt3A = arith.constant 0 : i32
    %lt3A_24 = arith.cmpi slt, %rem3A_21, %lt3A : i32
    %lt3A_25 = arith.constant 0 : i32
    %lt3A_26 = arith.cmpi slt, %select_n3A_20, %lt3A_25 : i32
    %ne3A_27 = arith.xori %lt3A_24, %lt3A_26 : i1
    %and3A_28 = arith.andi %ne3A_27, %ne3A_23 : i1
    %add3A_29 = arith.addi %rem3A_21, %select_n3A_20 : i32
    %select_n3A_30 = arith.select %and3A_28, %add3A_29, %rem3A_21 : i32
    %mul3A_31 = arith.constant 448 : i32
    %mul3A_32 = arith.muli %select_n3A_30, %mul3A_31 : i32
    %add3A_33 = arith.constant 4608 : i32
    %add3A_34 = arith.addi %add3A_33, %mul3A_32 : i32
    %add3A_35 = arith.constant 0 : i32
    %add3A_36 = arith.addi %add3A_34, %add3A_35 : i32
    %dma_start3A = arith.constant 0 : i32
    %dma_start3A_37 = arith.constant 0 : i32
    %dma_start3A_38 = arith.constant 0 : i32
    %dma_start3A_39 = tpu.memref_slice %arg5[%dma_start3A, %dma_start3A_37, %dma_start3A_38] : memref<2x8x2048xf32, #tpu.memory_space<vmem>> -> memref<1x8x2048xf32, #tpu.memory_space<vmem>>
    %dma_start3A_40 = tpu.memref_squeeze %dma_start3A_39 : memref<1x8x2048xf32, #tpu.memory_space<vmem>> -> memref<8x2048xf32, #tpu.memory_space<vmem>>
    %dma_start3A_41 = arith.constant 0 : i32
    %dma_start3A_42 = tpu.memref_slice %arg2[%select_n3A, %add3A_36, %dma_start3A_41] : memref<4x8192x2048xf32, #tpu.memory_space<hbm>> -> memref<1x8x2048xf32, #tpu.memory_space<hbm>>
    %dma_start3A_43 = tpu.memref_squeeze %dma_start3A_42 : memref<1x8x2048xf32, #tpu.memory_space<hbm>> -> memref<8x2048xf32, #tpu.memory_space<hbm>>
    %dma_start3A_44 = arith.constant 0 : i32
    %dma_start3A_45 = arith.constant 0 : i32
    %dma_start3A_46 = tpu.memref_slice %arg5[%dma_start3A, %dma_start3A_44, %dma_start3A_45] : memref<2x8x2048xf32, #tpu.memory_space<vmem>> -> memref<1x8x2048xf32, #tpu.memory_space<vmem>>
    %dma_start3A_47 = tpu.memref_squeeze %dma_start3A_46 : memref<1x8x2048xf32, #tpu.memory_space<vmem>> -> memref<8x2048xf32, #tpu.memory_space<vmem>>
    %dma_start3A_48 = arith.constant 0 : i32
    %dma_start3A_49 = tpu.memref_slice %arg2[%select_n3A, %add3A_36, %dma_start3A_48] : memref<4x8192x2048xf32, #tpu.memory_space<hbm>> -> memref<1x8x2048xf32, #tpu.memory_space<hbm>>
    %dma_start3A_50 = tpu.memref_squeeze %dma_start3A_49 : memref<1x8x2048xf32, #tpu.memory_space<hbm>> -> memref<8x2048xf32, #tpu.memory_space<hbm>>
    tpu.enqueue_dma source(%dma_start3A_50 : memref<8x2048xf32, #tpu.memory_space<hbm>>) target(%dma_start3A_47 : memref<8x2048xf32, #tpu.memory_space<vmem>>) target_semaphore(%arg8 : memref<!tpu.dma_semaphore, #tpu.memory_space<semaphore_mem>>)
    %dma_start3A_51 = arith.constant 0 : i32
    %dma_start3A_52 = arith.constant 0 : i32
    %dma_start3A_53 = arith.constant 0 : i32
    %dma_start3A_54 = tpu.memref_slice %arg6[%dma_start3A_51, %dma_start3A_52, %dma_start3A_53] : memref<2x8x2048xf32, #tpu.memory_space<vmem>> -> memref<1x8x2048xf32, #tpu.memory_space<vmem>>
    %dma_start3A_55 = tpu.memref_squeeze %dma_start3A_54 : memref<1x8x2048xf32, #tpu.memory_space<vmem>> -> memref<8x2048xf32, #tpu.memory_space<vmem>>
    %dma_start3A_56 = arith.constant 0 : i32
    %dma_start3A_57 = tpu.memref_slice %arg3[%select_n3A, %add3A_36, %dma_start3A_56] : memref<4x8192x2048xf32, #tpu.memory_space<hbm>> -> memref<1x8x2048xf32, #tpu.memory_space<hbm>>
    %dma_start3A_58 = tpu.memref_squeeze %dma_start3A_57 : memref<1x8x2048xf32, #tpu.memory_space<hbm>> -> memref<8x2048xf32, #tpu.memory_space<hbm>>
    %dma_start3A_59 = arith.constant 0 : i32
    %dma_start3A_60 = arith.constant 0 : i32
    %dma_start3A_61 = tpu.memref_slice %arg6[%dma_start3A_51, %dma_start3A_59, %dma_start3A_60] : memref<2x8x2048xf32, #tpu.memory_space<vmem>> -> memref<1x8x2048xf32, #tpu.memory_space<vmem>>
    %dma_start3A_62 = tpu.memref_squeeze %dma_start3A_61 : memref<1x8x2048xf32, #tpu.memory_space<vmem>> -> memref<8x2048xf32, #tpu.memory_space<vmem>>
    %dma_start3A_63 = arith.constant 0 : i32
    %dma_start3A_64 = tpu.memref_slice %arg3[%select_n3A, %add3A_36, %dma_start3A_63] : memref<4x8192x2048xf32, #tpu.memory_space<hbm>> -> memref<1x8x2048xf32, #tpu.memory_space<hbm>>
    %dma_start3A_65 = tpu.memref_squeeze %dma_start3A_64 : memref<1x8x2048xf32, #tpu.memory_space<hbm>> -> memref<8x2048xf32, #tpu.memory_space<hbm>>
    tpu.enqueue_dma source(%dma_start3A_65 : memref<8x2048xf32, #tpu.memory_space<hbm>>) target(%dma_start3A_62 : memref<8x2048xf32, #tpu.memory_space<vmem>>) target_semaphore(%arg10 : memref<!tpu.dma_semaphore, #tpu.memory_space<semaphore_mem>>)
    %broadcast_in_dim3A = arith.constant 0.000000e+00 : f32
    %broadcast_in_dim3A_66 = vector.broadcast %broadcast_in_dim3A : f32 to vector<16xf32>
    %scan3A = arith.constant 0 : i32
    %scan3A_67 = arith.constant 28 : i32
    %scan3A_68 = arith.addi %scan3A, %scan3A_67 : i32
    %scan3A_69 = arith.constant 1 : i32
    %scan3A_70 = scf.for %scan3A_116 = %scan3A to %scan3A_68 step %scan3A_69 iter_args(%scan3A_117 = %broadcast_in_dim3A_66) -> (vector<16xf32>)  : i32 {
      %mul3A_118 = arith.constant 2 : i32
      %mul3A_119 = arith.muli %mul3A_118, %scan3A_116 : i32
      %add3A_120 = arith.constant 1 : i32
      %add3A_121 = arith.addi %mul3A_119, %add3A_120 : i32
      %mul3A_122 = arith.constant 8 : i32
      %mul3A_123 = arith.muli %add3A_121, %mul3A_122 : i32
      %add3A_124 = arith.addi %add3A_34, %mul3A_123 : i32
      %dma_start3A_125 = arith.constant 1 : i32
      %dma_start3A_126 = arith.constant 0 : i32
      %dma_start3A_127 = arith.constant 0 : i32
      %dma_start3A_128 = tpu.memref_slice %arg5[%dma_start3A_125, %dma_start3A_126, %dma_start3A_127] : memref<2x8x2048xf32, #tpu.memory_space<vmem>> -> memref<1x8x2048xf32, #tpu.memory_space<vmem>>
      %dma_start3A_129 = tpu.memref_squeeze %dma_start3A_128 : memref<1x8x2048xf32, #tpu.memory_space<vmem>> -> memref<8x2048xf32, #tpu.memory_space<vmem>>
      %dma_start3A_130 = arith.constant 0 : i32
      %dma_start3A_131 = tpu.memref_slice %arg2[%select_n3A, %add3A_124, %dma_start3A_130] : memref<4x8192x2048xf32, #tpu.memory_space<hbm>> -> memref<1x8x2048xf32, #tpu.memory_space<hbm>>
      %dma_start3A_132 = tpu.memref_squeeze %dma_start3A_131 : memref<1x8x2048xf32, #tpu.memory_space<hbm>> -> memref<8x2048xf32, #tpu.memory_space<hbm>>
      %dma_start3A_133 = arith.constant 0 : i32
      %dma_start3A_134 = arith.constant 0 : i32
      %dma_start3A_135 = tpu.memref_slice %arg5[%dma_start3A_125, %dma_start3A_133, %dma_start3A_134] : memref<2x8x2048xf32, #tpu.memory_space<vmem>> -> memref<1x8x2048xf32, #tpu.memory_space<vmem>>
      %dma_start3A_136 = tpu.memref_squeeze %dma_start3A_135 : memref<1x8x2048xf32, #tpu.memory_space<vmem>> -> memref<8x2048xf32, #tpu.memory_space<vmem>>
      %dma_start3A_137 = arith.constant 0 : i32
      %dma_start3A_138 = tpu.memref_slice %arg2[%select_n3A, %add3A_124, %dma_start3A_137] : memref<4x8192x2048xf32, #tpu.memory_space<hbm>> -> memref<1x8x2048xf32, #tpu.memory_space<hbm>>
      %dma_start3A_139 = tpu.memref_squeeze %dma_start3A_138 : memref<1x8x2048xf32, #tpu.memory_space<hbm>> -> memref<8x2048xf32, #tpu.memory_space<hbm>>
      tpu.enqueue_dma source(%dma_start3A_139 : memref<8x2048xf32, #tpu.memory_space<hbm>>) target(%dma_start3A_136 : memref<8x2048xf32, #tpu.memory_space<vmem>>) target_semaphore(%arg9 : memref<!tpu.dma_semaphore, #tpu.memory_space<semaphore_mem>>)
      %dma_start3A_140 = arith.constant 1 : i32
      %dma_start3A_141 = arith.constant 0 : i32
      %dma_start3A_142 = arith.constant 0 : i32
      %dma_start3A_143 = tpu.memref_slice %arg6[%dma_start3A_140, %dma_start3A_141, %dma_start3A_142] : memref<2x8x2048xf32, #tpu.memory_space<vmem>> -> memref<1x8x2048xf32, #tpu.memory_space<vmem>>
      %dma_start3A_144 = tpu.memref_squeeze %dma_start3A_143 : memref<1x8x2048xf32, #tpu.memory_space<vmem>> -> memref<8x2048xf32, #tpu.memory_space<vmem>>
      %dma_start3A_145 = arith.constant 0 : i32
      %dma_start3A_146 = tpu.memref_slice %arg3[%select_n3A, %add3A_124, %dma_start3A_145] : memref<4x8192x2048xf32, #tpu.memory_space<hbm>> -> memref<1x8x2048xf32, #tpu.memory_space<hbm>>
      %dma_start3A_147 = tpu.memref_squeeze %dma_start3A_146 : memref<1x8x2048xf32, #tpu.memory_space<hbm>> -> memref<8x2048xf32, #tpu.memory_space<hbm>>
      %dma_start3A_148 = arith.constant 0 : i32
      %dma_start3A_149 = arith.constant 0 : i32
      %dma_start3A_150 = tpu.memref_slice %arg6[%dma_start3A_140, %dma_start3A_148, %dma_start3A_149] : memref<2x8x2048xf32, #tpu.memory_space<vmem>> -> memref<1x8x2048xf32, #tpu.memory_space<vmem>>
      %dma_start3A_151 = tpu.memref_squeeze %dma_start3A_150 : memref<1x8x2048xf32, #tpu.memory_space<vmem>> -> memref<8x2048xf32, #tpu.memory_space<vmem>>
      %dma_start3A_152 = arith.constant 0 : i32
      %dma_start3A_153 = tpu.memref_slice %arg3[%select_n3A, %add3A_124, %dma_start3A_152] : memref<4x8192x2048xf32, #tpu.memory_space<hbm>> -> memref<1x8x2048xf32, #tpu.memory_space<hbm>>
      %dma_start3A_154 = tpu.memref_squeeze %dma_start3A_153 : memref<1x8x2048xf32, #tpu.memory_space<hbm>> -> memref<8x2048xf32, #tpu.memory_space<hbm>>
      tpu.enqueue_dma source(%dma_start3A_154 : memref<8x2048xf32, #tpu.memory_space<hbm>>) target(%dma_start3A_151 : memref<8x2048xf32, #tpu.memory_space<vmem>>) target_semaphore(%arg11 : memref<!tpu.dma_semaphore, #tpu.memory_space<semaphore_mem>>)
      %mul3A_155 = arith.constant 8 : i32
      %mul3A_156 = arith.muli %mul3A_119, %mul3A_155 : i32
      %add3A_157 = arith.addi %add3A_34, %mul3A_156 : i32
      %dma_wait3A_158 = arith.constant 0 : i32
      %dma_wait3A_159 = arith.constant 0 : i32
      %dma_wait3A_160 = arith.constant 0 : i32
      %dma_wait3A_161 = tpu.memref_slice %arg5[%dma_wait3A_158, %dma_wait3A_159, %dma_wait3A_160] : memref<2x8x2048xf32, #tpu.memory_space<vmem>> -> memref<1x8x2048xf32, #tpu.memory_space<vmem>>
      %dma_wait3A_162 = tpu.memref_squeeze %dma_wait3A_161 : memref<1x8x2048xf32, #tpu.memory_space<vmem>> -> memref<8x2048xf32, #tpu.memory_space<vmem>>
      %dma_wait3A_163 = arith.constant 0 : i32
      %dma_wait3A_164 = tpu.memref_slice %arg2[%select_n3A, %add3A_157, %dma_wait3A_163] : memref<4x8192x2048xf32, #tpu.memory_space<hbm>> -> memref<1x8x2048xf32, #tpu.memory_space<hbm>>
      %dma_wait3A_165 = tpu.memref_squeeze %dma_wait3A_164 : memref<1x8x2048xf32, #tpu.memory_space<hbm>> -> memref<8x2048xf32, #tpu.memory_space<hbm>>
      %dma_wait3A_166 = arith.constant 0 : i32
      %dma_wait3A_167 = arith.constant 0 : i32
      %dma_wait3A_168 = tpu.memref_slice %arg5[%dma_wait3A_158, %dma_wait3A_166, %dma_wait3A_167] : memref<2x8x2048xf32, #tpu.memory_space<vmem>> -> memref<1x8x2048xf32, #tpu.memory_space<vmem>>
      %dma_wait3A_169 = tpu.memref_squeeze %dma_wait3A_168 : memref<1x8x2048xf32, #tpu.memory_space<vmem>> -> memref<8x2048xf32, #tpu.memory_space<vmem>>
      %dma_wait3A_170 = arith.constant 0 : i32
      %dma_wait3A_171 = tpu.memref_slice %arg2[%select_n3A, %add3A_157, %dma_wait3A_170] : memref<4x8192x2048xf32, #tpu.memory_space<hbm>> -> memref<1x8x2048xf32, #tpu.memory_space<hbm>>
      %dma_wait3A_172 = tpu.memref_squeeze %dma_wait3A_171 : memref<1x8x2048xf32, #tpu.memory_space<hbm>> -> memref<8x2048xf32, #tpu.memory_space<hbm>>
      tpu.wait_dma2 semaphore(%arg8 : memref<!tpu.dma_semaphore, #tpu.memory_space<semaphore_mem>>) src(%dma_wait3A_172 : memref<8x2048xf32, #tpu.memory_space<hbm>>) dst(%dma_wait3A_169 : memref<8x2048xf32, #tpu.memory_space<vmem>>)
      %dma_wait3A_173 = arith.constant 0 : i32
      %dma_wait3A_174 = arith.constant 0 : i32
      %dma_wait3A_175 = arith.constant 0 : i32
      %dma_wait3A_176 = tpu.memref_slice %arg6[%dma_wait3A_173, %dma_wait3A_174, %dma_wait3A_175] : memref<2x8x2048xf32, #tpu.memory_space<vmem>> -> memref<1x8x2048xf32, #tpu.memory_space<vmem>>
      %dma_wait3A_177 = tpu.memref_squeeze %dma_wait3A_176 : memref<1x8x2048xf32, #tpu.memory_space<vmem>> -> memref<8x2048xf32, #tpu.memory_space<vmem>>
      %dma_wait3A_178 = arith.constant 0 : i32
      %dma_wait3A_179 = tpu.memref_slice %arg3[%select_n3A, %add3A_157, %dma_wait3A_178] : memref<4x8192x2048xf32, #tpu.memory_space<hbm>> -> memref<1x8x2048xf32, #tpu.memory_space<hbm>>
      %dma_wait3A_180 = tpu.memref_squeeze %dma_wait3A_179 : memref<1x8x2048xf32, #tpu.memory_space<hbm>> -> memref<8x2048xf32, #tpu.memory_space<hbm>>
      %dma_wait3A_181 = arith.constant 0 : i32
      %dma_wait3A_182 = arith.constant 0 : i32
      %dma_wait3A_183 = tpu.memref_slice %arg6[%dma_wait3A_173, %dma_wait3A_181, %dma_wait3A_182] : memref<2x8x2048xf32, #tpu.memory_space<vmem>> -> memref<1x8x2048xf32, #tpu.memory_space<vmem>>
      %dma_wait3A_184 = tpu.memref_squeeze %dma_wait3A_183 : memref<1x8x2048xf32, #tpu.memory_space<vmem>> -> memref<8x2048xf32, #tpu.memory_space<vmem>>
      %dma_wait3A_185 = arith.constant 0 : i32
      %dma_wait3A_186 = tpu.memref_slice %arg3[%select_n3A, %add3A_157, %dma_wait3A_185] : memref<4x8192x2048xf32, #tpu.memory_space<hbm>> -> memref<1x8x2048xf32, #tpu.memory_space<hbm>>
      %dma_wait3A_187 = tpu.memref_squeeze %dma_wait3A_186 : memref<1x8x2048xf32, #tpu.memory_space<hbm>> -> memref<8x2048xf32, #tpu.memory_space<hbm>>
      tpu.wait_dma2 semaphore(%arg10 : memref<!tpu.dma_semaphore, #tpu.memory_space<semaphore_mem>>) src(%dma_wait3A_187 : memref<8x2048xf32, #tpu.memory_space<hbm>>) dst(%dma_wait3A_184 : memref<8x2048xf32, #tpu.memory_space<vmem>>)
      %scan3A_188 = arith.constant 0 : i32
      %scan3A_189 = arith.constant 0 : i32
      %scan3A_190 = arith.constant 0 : i32
      %scan3A_191 = arith.constant 128 : i32
      %scan3A_192 = arith.addi %scan3A_190, %scan3A_191 : i32
      %scan3A_193 = arith.constant 1 : i32
      %scan3A_194 = scf.for %scan3A_244 = %scan3A_190 to %scan3A_192 step %scan3A_193 iter_args(%scan3A_245 = %scan3A_117) -> (vector<16xf32>)  : i32 {
        %jit3A_246 = arith.constant 16 : i32
        %div3A_247 = arith.divsi %scan3A_244, %jit3A_246 : i32
        %sign3A_248 = arith.constant 0 : i32
        %sign3A_249 = arith.cmpi sgt, %scan3A_244, %sign3A_248 : i32
        %sign3A_250 = arith.extui %sign3A_249 : i1 to i32
        %sign3A_251 = arith.constant 0 : i32
        %sign3A_252 = arith.cmpi slt, %scan3A_244, %sign3A_251 : i32
        %sign3A_253 = arith.extui %sign3A_252 : i1 to i32
        %sign3A_254 = arith.subi %sign3A_250, %sign3A_253 : i32
        %sign3A_255 = arith.constant 0 : i32
        %sign3A_256 = arith.cmpi sgt, %jit3A_246, %sign3A_255 : i32
        %sign3A_257 = arith.extui %sign3A_256 : i1 to i32
        %sign3A_258 = arith.constant 0 : i32
        %sign3A_259 = arith.cmpi slt, %jit3A_246, %sign3A_258 : i32
        %sign3A_260 = arith.extui %sign3A_259 : i1 to i32
        %sign3A_261 = arith.subi %sign3A_257, %sign3A_260 : i32
        %ne3A_262 = arith.cmpi ne, %sign3A_254, %sign3A_261 : i32
        %rem3A_263 = arith.remsi %scan3A_244, %jit3A_246 : i32
        %ne3A_264 = arith.constant 0 : i32
        %ne3A_265 = arith.cmpi ne, %rem3A_263, %ne3A_264 : i32
        %and3A_266 = arith.andi %ne3A_262, %ne3A_265 : i1
        %sub3A_267 = arith.constant 1 : i32
        %sub3A_268 = arith.subi %div3A_247, %sub3A_267 : i32
        %select_n3A_269 = arith.select %and3A_266, %sub3A_268, %div3A_247 : i32
        %jit3A_270 = arith.constant 16 : i32
        %eq3A_271 = arith.constant 0 : i32
        %eq3A_272 = arith.cmpi eq, %jit3A_270, %eq3A_271 : i32
        %jit3A_273 = arith.constant 1 : i32
        %select_n3A_274 = arith.select %eq3A_272, %jit3A_273, %jit3A_270 : i32
        %rem3A_275 = arith.remsi %scan3A_244, %select_n3A_274 : i32
        %ne3A_276 = arith.constant 0 : i32
        %ne3A_277 = arith.cmpi ne, %rem3A_275, %ne3A_276 : i32
        %lt3A_278 = arith.constant 0 : i32
        %lt3A_279 = arith.cmpi slt, %rem3A_275, %lt3A_278 : i32
        %lt3A_280 = arith.constant 0 : i32
        %lt3A_281 = arith.cmpi slt, %select_n3A_274, %lt3A_280 : i32
        %ne3A_282 = arith.xori %lt3A_279, %lt3A_281 : i1
        %and3A_283 = arith.andi %ne3A_282, %ne3A_277 : i1
        %add3A_284 = arith.addi %rem3A_275, %select_n3A_274 : i32
        %select_n3A_285 = arith.select %and3A_283, %add3A_284, %rem3A_275 : i32
        %mul3A_286 = arith.constant 128 : i32
        %mul3A_287 = arith.muli %select_n3A_285, %mul3A_286 : i32
        %add3A_288 = arith.constant 0 : i32
        %add3A_289 = arith.addi %mul3A_287, %add3A_288 : i32
        %get3A = arith.constant 0 : i32
        %get3A_290 = arith.constant 0 : i32
        %get3A_291 = tpu.memref_slice %arg5[%scan3A_188, %get3A, %get3A_290] : memref<2x8x2048xf32, #tpu.memory_space<vmem>> -> memref<1x8x2048xf32, #tpu.memory_space<vmem>>
        %get3A_292 = tpu.memref_squeeze %get3A_291 : memref<1x8x2048xf32, #tpu.memory_space<vmem>> -> memref<8x2048xf32, #tpu.memory_space<vmem>>
        %get3A_293 = arith.index_cast %select_n3A_269 : i32 to index
        %get3A_294 = arith.index_cast %add3A_289 : i32 to index
        %get3A_295 = tpu.vector_load %get3A_292[%get3A_293, %get3A_294] {strides = array<i32>} : memref<8x2048xf32, #tpu.memory_space<vmem>>, vector<1x16xf32>,
        %get3A_296 = vector.shape_cast %get3A_295 : vector<1x16xf32> to vector<16xf32>
        %add3A_297 = arith.constant 0 : i32
        %add3A_298 = arith.addi %mul3A_287, %add3A_297 : i32
        %get3A_299 = arith.constant 0 : i32
        %get3A_300 = arith.constant 0 : i32
        %get3A_301 = tpu.memref_slice %arg6[%scan3A_189, %get3A_299, %get3A_300] : memref<2x8x2048xf32, #tpu.memory_space<vmem>> -> memref<1x8x2048xf32, #tpu.memory_space<vmem>>
        %get3A_302 = tpu.memref_squeeze %get3A_301 : memref<1x8x2048xf32, #tpu.memory_space<vmem>> -> memref<8x2048xf32, #tpu.memory_space<vmem>>
        %get3A_303 = arith.index_cast %select_n3A_269 : i32 to index
        %get3A_304 = arith.index_cast %add3A_298 : i32 to index
        %get3A_305 = tpu.vector_load %get3A_302[%get3A_303, %get3A_304] {strides = array<i32>} : memref<8x2048xf32, #tpu.memory_space<vmem>>, vector<1x16xf32>,
        %get3A_306 = vector.shape_cast %get3A_305 : vector<1x16xf32> to vector<16xf32>
        %eq3A_307 = arith.constant 0.000000e+00 : f32
        %eq3A_308 = vector.broadcast %eq3A_307 : f32 to vector<16xf32>
        %eq3A_309 = arith.cmpf oeq, %get3A_306, %eq3A_308 : vector<16xf32>
        %select_n3A_310 = arith.select %eq3A_309, %get3A_306, %get3A_296 : vector<16xi1>, vector<16xf32>
        %sub3A_311 = arith.subf %select_n3A_310, %get3A_306 : vector<16xf32>
        %mul3A_312 = arith.mulf %sub3A_311, %sub3A_311 : vector<16xf32>
        %add3A_313 = arith.addf %scan3A_245, %mul3A_312 : vector<16xf32>
        %add3A_314 = arith.constant 16 : i32
        %add3A_315 = arith.addi %mul3A_287, %add3A_314 : i32
        %get3A_316 = arith.constant 0 : i32
        %get3A_317 = arith.constant 0 : i32
        %get3A_318 = tpu.memref_slice %arg5[%scan3A_188, %get3A_316, %get3A_317] : memref<2x8x2048xf32, #tpu.memory_space<vmem>> -> memref<1x8x2048xf32, #tpu.memory_space<vmem>>
        %get3A_319 = tpu.memref_squeeze %get3A_318 : memref<1x8x2048xf32, #tpu.memory_space<vmem>> -> memref<8x2048xf32, #tpu.memory_space<vmem>>
        %get3A_320 = arith.index_cast %select_n3A_269 : i32 to index
        %get3A_321 = arith.index_cast %add3A_315 : i32 to index
        %get3A_322 = tpu.vector_load %get3A_319[%get3A_320, %get3A_321] {strides = array<i32>} : memref<8x2048xf32, #tpu.memory_space<vmem>>, vector<1x16xf32>,
        %get3A_323 = vector.shape_cast %get3A_322 : vector<1x16xf32> to vector<16xf32>
        %add3A_324 = arith.constant 16 : i32
        %add3A_325 = arith.addi %mul3A_287, %add3A_324 : i32
        %get3A_326 = arith.constant 0 : i32
        %get3A_327 = arith.constant 0 : i32
        %get3A_328 = tpu.memref_slice %arg6[%scan3A_189, %get3A_326, %get3A_327] : memref<2x8x2048xf32, #tpu.memory_space<vmem>> -> memref<1x8x2048xf32, #tpu.memory_space<vmem>>
        %get3A_329 = tpu.memref_squeeze %get3A_328 : memref<1x8x2048xf32, #tpu.memory_space<vmem>> -> memref<8x2048xf32, #tpu.memory_space<vmem>>
        %get3A_330 = arith.index_cast %select_n3A_269 : i32 to index
        %get3A_331 = arith.index_cast %add3A_325 : i32 to index
        %get3A_332 = tpu.vector_load %get3A_329[%get3A_330, %get3A_331] {strides = array<i32>} : memref<8x2048xf32, #tpu.memory_space<vmem>>, vector<1x16xf32>,
        %get3A_333 = vector.shape_cast %get3A_332 : vector<1x16xf32> to vector<16xf32>
        %eq3A_334 = arith.constant 0.000000e+00 : f32
        %eq3A_335 = vector.broadcast %eq3A_334 : f32 to vector<16xf32>
        %eq3A_336 = arith.cmpf oeq, %get3A_333, %eq3A_335 : vector<16xf32>
        %select_n3A_337 = arith.select %eq3A_336, %get3A_333, %get3A_323 : vector<16xi1>, vector<16xf32>
        %sub3A_338 = arith.subf %select_n3A_337, %get3A_333 : vector<16xf32>
        %mul3A_339 = arith.mulf %sub3A_338, %sub3A_338 : vector<16xf32>
        %add3A_340 = arith.addf %add3A_313, %mul3A_339 : vector<16xf32>
        %add3A_341 = arith.constant 32 : i32
        %add3A_342 = arith.addi %mul3A_287, %add3A_341 : i32
        %get3A_343 = arith.constant 0 : i32
        %get3A_344 = arith.constant 0 : i32
        %get3A_345 = tpu.memref_slice %arg5[%scan3A_188, %get3A_343, %get3A_344] : memref<2x8x2048xf32, #tpu.memory_space<vmem>> -> memref<1x8x2048xf32, #tpu.memory_space<vmem>>
        %get3A_346 = tpu.memref_squeeze %get3A_345 : memref<1x8x2048xf32, #tpu.memory_space<vmem>> -> memref<8x2048xf32, #tpu.memory_space<vmem>>
        %get3A_347 = arith.index_cast %select_n3A_269 : i32 to index
        %get3A_348 = arith.index_cast %add3A_342 : i32 to index
        %get3A_349 = tpu.vector_load %get3A_346[%get3A_347, %get3A_348] {strides = array<i32>} : memref<8x2048xf32, #tpu.memory_space<vmem>>, vector<1x16xf32>,
        %get3A_350 = vector.shape_cast %get3A_349 : vector<1x16xf32> to vector<16xf32>
        %add3A_351 = arith.constant 32 : i32
        %add3A_352 = arith.addi %mul3A_287, %add3A_351 : i32
        %get3A_353 = arith.constant 0 : i32
        %get3A_354 = arith.constant 0 : i32
        %get3A_355 = tpu.memref_slice %arg6[%scan3A_189, %get3A_353, %get3A_354] : memref<2x8x2048xf32, #tpu.memory_space<vmem>> -> memref<1x8x2048xf32, #tpu.memory_space<vmem>>
        %get3A_356 = tpu.memref_squeeze %get3A_355 : memref<1x8x2048xf32, #tpu.memory_space<vmem>> -> memref<8x2048xf32, #tpu.memory_space<vmem>>
        %get3A_357 = arith.index_cast %select_n3A_269 : i32 to index
        %get3A_358 = arith.index_cast %add3A_352 : i32 to index
        %get3A_359 = tpu.vector_load %get3A_356[%get3A_357, %get3A_358] {strides = array<i32>} : memref<8x2048xf32, #tpu.memory_space<vmem>>, vector<1x16xf32>,
        %get3A_360 = vector.shape_cast %get3A_359 : vector<1x16xf32> to vector<16xf32>
        %eq3A_361 = arith.constant 0.000000e+00 : f32
        %eq3A_362 = vector.broadcast %eq3A_361 : f32 to vector<16xf32>
        %eq3A_363 = arith.cmpf oeq, %get3A_360, %eq3A_362 : vector<16xf32>
        %select_n3A_364 = arith.select %eq3A_363, %get3A_360, %get3A_350 : vector<16xi1>, vector<16xf32>
        %sub3A_365 = arith.subf %select_n3A_364, %get3A_360 : vector<16xf32>
        %mul3A_366 = arith.mulf %sub3A_365, %sub3A_365 : vector<16xf32>
        %add3A_367 = arith.addf %add3A_340, %mul3A_366 : vector<16xf32>
        %add3A_368 = arith.constant 48 : i32
        %add3A_369 = arith.addi %mul3A_287, %add3A_368 : i32
        %get3A_370 = arith.constant 0 : i32
        %get3A_371 = arith.constant 0 : i32
        %get3A_372 = tpu.memref_slice %arg5[%scan3A_188, %get3A_370, %get3A_371] : memref<2x8x2048xf32, #tpu.memory_space<vmem>> -> memref<1x8x2048xf32, #tpu.memory_space<vmem>>
        %get3A_373 = tpu.memref_squeeze %get3A_372 : memref<1x8x2048xf32, #tpu.memory_space<vmem>> -> memref<8x2048xf32, #tpu.memory_space<vmem>>
        %get3A_374 = arith.index_cast %select_n3A_269 : i32 to index
        %get3A_375 = arith.index_cast %add3A_369 : i32 to index
        %get3A_376 = tpu.vector_load %get3A_373[%get3A_374, %get3A_375] {strides = array<i32>} : memref<8x2048xf32, #tpu.memory_space<vmem>>, vector<1x16xf32>,
        %get3A_377 = vector.shape_cast %get3A_376 : vector<1x16xf32> to vector<16xf32>
        %add3A_378 = arith.constant 48 : i32
        %add3A_379 = arith.addi %mul3A_287, %add3A_378 : i32
        %get3A_380 = arith.constant 0 : i32
        %get3A_381 = arith.constant 0 : i32
        %get3A_382 = tpu.memref_slice %arg6[%scan3A_189, %get3A_380, %get3A_381] : memref<2x8x2048xf32, #tpu.memory_space<vmem>> -> memref<1x8x2048xf32, #tpu.memory_space<vmem>>
        %get3A_383 = tpu.memref_squeeze %get3A_382 : memref<1x8x2048xf32, #tpu.memory_space<vmem>> -> memref<8x2048xf32, #tpu.memory_space<vmem>>
        %get3A_384 = arith.index_cast %select_n3A_269 : i32 to index
        %get3A_385 = arith.index_cast %add3A_379 : i32 to index
        %get3A_386 = tpu.vector_load %get3A_383[%get3A_384, %get3A_385] {strides = array<i32>} : memref<8x2048xf32, #tpu.memory_space<vmem>>, vector<1x16xf32>,
        %get3A_387 = vector.shape_cast %get3A_386 : vector<1x16xf32> to vector<16xf32>
        %eq3A_388 = arith.constant 0.000000e+00 : f32
        %eq3A_389 = vector.broadcast %eq3A_388 : f32 to vector<16xf32>
        %eq3A_390 = arith.cmpf oeq, %get3A_387, %eq3A_389 : vector<16xf32>
        %select_n3A_391 = arith.select %eq3A_390, %get3A_387, %get3A_377 : vector<16xi1>, vector<16xf32>
        %sub3A_392 = arith.subf %select_n3A_391, %get3A_387 : vector<16xf32>
        %mul3A_393 = arith.mulf %sub3A_392, %sub3A_392 : vector<16xf32>
        %add3A_394 = arith.addf %add3A_367, %mul3A_393 : vector<16xf32>
        %add3A_395 = arith.constant 64 : i32
        %add3A_396 = arith.addi %mul3A_287, %add3A_395 : i32
        %get3A_397 = arith.constant 0 : i32
        %get3A_398 = arith.constant 0 : i32
        %get3A_399 = tpu.memref_slice %arg5[%scan3A_188, %get3A_397, %get3A_398] : memref<2x8x2048xf32, #tpu.memory_space<vmem>> -> memref<1x8x2048xf32, #tpu.memory_space<vmem>>
        %get3A_400 = tpu.memref_squeeze %get3A_399 : memref<1x8x2048xf32, #tpu.memory_space<vmem>> -> memref<8x2048xf32, #tpu.memory_space<vmem>>
        %get3A_401 = arith.index_cast %select_n3A_269 : i32 to index
        %get3A_402 = arith.index_cast %add3A_396 : i32 to index
        %get3A_403 = tpu.vector_load %get3A_400[%get3A_401, %get3A_402] {strides = array<i32>} : memref<8x2048xf32, #tpu.memory_space<vmem>>, vector<1x16xf32>,
        %get3A_404 = vector.shape_cast %get3A_403 : vector<1x16xf32> to vector<16xf32>
        %add3A_405 = arith.constant 64 : i32
        %add3A_406 = arith.addi %mul3A_287, %add3A_405 : i32
        %get3A_407 = arith.constant 0 : i32
        %get3A_408 = arith.constant 0 : i32
        %get3A_409 = tpu.memref_slice %arg6[%scan3A_189, %get3A_407, %get3A_408] : memref<2x8x2048xf32, #tpu.memory_space<vmem>> -> memref<1x8x2048xf32, #tpu.memory_space<vmem>>
        %get3A_410 = tpu.memref_squeeze %get3A_409 : memref<1x8x2048xf32, #tpu.memory_space<vmem>> -> memref<8x2048xf32, #tpu.memory_space<vmem>>
        %get3A_411 = arith.index_cast %select_n3A_269 : i32 to index
        %get3A_412 = arith.index_cast %add3A_406 : i32 to index
        %get3A_413 = tpu.vector_load %get3A_410[%get3A_411, %get3A_412] {strides = array<i32>} : memref<8x2048xf32, #tpu.memory_space<vmem>>, vector<1x16xf32>,
        %get3A_414 = vector.shape_cast %get3A_413 : vector<1x16xf32> to vector<16xf32>
        %eq3A_415 = arith.constant 0.000000e+00 : f32
        %eq3A_416 = vector.broadcast %eq3A_415 : f32 to vector<16xf32>
        %eq3A_417 = arith.cmpf oeq, %get3A_414, %eq3A_416 : vector<16xf32>
        %select_n3A_418 = arith.select %eq3A_417, %get3A_414, %get3A_404 : vector<16xi1>, vector<16xf32>
        %sub3A_419 = arith.subf %select_n3A_418, %get3A_414 : vector<16xf32>
        %mul3A_420 = arith.mulf %sub3A_419, %sub3A_419 : vector<16xf32>
        %add3A_421 = arith.addf %add3A_394, %mul3A_420 : vector<16xf32>
        %add3A_422 = arith.constant 80 : i32
        %add3A_423 = arith.addi %mul3A_287, %add3A_422 : i32
        %get3A_424 = arith.constant 0 : i32
        %get3A_425 = arith.constant 0 : i32
        %get3A_426 = tpu.memref_slice %arg5[%scan3A_188, %get3A_424, %get3A_425] : memref<2x8x2048xf32, #tpu.memory_space<vmem>> -> memref<1x8x2048xf32, #tpu.memory_space<vmem>>
        %get3A_427 = tpu.memref_squeeze %get3A_426 : memref<1x8x2048xf32, #tpu.memory_space<vmem>> -> memref<8x2048xf32, #tpu.memory_space<vmem>>
        %get3A_428 = arith.index_cast %select_n3A_269 : i32 to index
        %get3A_429 = arith.index_cast %add3A_423 : i32 to index
        %get3A_430 = tpu.vector_load %get3A_427[%get3A_428, %get3A_429] {strides = array<i32>} : memref<8x2048xf32, #tpu.memory_space<vmem>>, vector<1x16xf32>,
        %get3A_431 = vector.shape_cast %get3A_430 : vector<1x16xf32> to vector<16xf32>
        %add3A_432 = arith.constant 80 : i32
        %add3A_433 = arith.addi %mul3A_287, %add3A_432 : i32
        %get3A_434 = arith.constant 0 : i32
        %get3A_435 = arith.constant 0 : i32
        %get3A_436 = tpu.memref_slice %arg6[%scan3A_189, %get3A_434, %get3A_435] : memref<2x8x2048xf32, #tpu.memory_space<vmem>> -> memref<1x8x2048xf32, #tpu.memory_space<vmem>>
        %get3A_437 = tpu.memref_squeeze %get3A_436 : memref<1x8x2048xf32, #tpu.memory_space<vmem>> -> memref<8x2048xf32, #tpu.memory_space<vmem>>
        %get3A_438 = arith.index_cast %select_n3A_269 : i32 to index
        %get3A_439 = arith.index_cast %add3A_433 : i32 to index
        %get3A_440 = tpu.vector_load %get3A_437[%get3A_438, %get3A_439] {strides = array<i32>} : memref<8x2048xf32, #tpu.memory_space<vmem>>, vector<1x16xf32>,
        %get3A_441 = vector.shape_cast %get3A_440 : vector<1x16xf32> to vector<16xf32>
        %eq3A_442 = arith.constant 0.000000e+00 : f32
        %eq3A_443 = vector.broadcast %eq3A_442 : f32 to vector<16xf32>
        %eq3A_444 = arith.cmpf oeq, %get3A_441, %eq3A_443 : vector<16xf32>
        %select_n3A_445 = arith.select %eq3A_444, %get3A_441, %get3A_431 : vector<16xi1>, vector<16xf32>
        %sub3A_446 = arith.subf %select_n3A_445, %get3A_441 : vector<16xf32>
        %mul3A_447 = arith.mulf %sub3A_446, %sub3A_446 : vector<16xf32>
        %add3A_448 = arith.addf %add3A_421, %mul3A_447 : vector<16xf32>
        %add3A_449 = arith.constant 96 : i32
        %add3A_450 = arith.addi %mul3A_287, %add3A_449 : i32
        %get3A_451 = arith.constant 0 : i32
        %get3A_452 = arith.constant 0 : i32
        %get3A_453 = tpu.memref_slice %arg5[%scan3A_188, %get3A_451, %get3A_452] : memref<2x8x2048xf32, #tpu.memory_space<vmem>> -> memref<1x8x2048xf32, #tpu.memory_space<vmem>>
        %get3A_454 = tpu.memref_squeeze %get3A_453 : memref<1x8x2048xf32, #tpu.memory_space<vmem>> -> memref<8x2048xf32, #tpu.memory_space<vmem>>
        %get3A_455 = arith.index_cast %select_n3A_269 : i32 to index
        %get3A_456 = arith.index_cast %add3A_450 : i32 to index
        %get3A_457 = tpu.vector_load %get3A_454[%get3A_455, %get3A_456] {strides = array<i32>} : memref<8x2048xf32, #tpu.memory_space<vmem>>, vector<1x16xf32>,
        %get3A_458 = vector.shape_cast %get3A_457 : vector<1x16xf32> to vector<16xf32>
        %add3A_459 = arith.constant 96 : i32
        %add3A_460 = arith.addi %mul3A_287, %add3A_459 : i32
        %get3A_461 = arith.constant 0 : i32
        %get3A_462 = arith.constant 0 : i32
        %get3A_463 = tpu.memref_slice %arg6[%scan3A_189, %get3A_461, %get3A_462] : memref<2x8x2048xf32, #tpu.memory_space<vmem>> -> memref<1x8x2048xf32, #tpu.memory_space<vmem>>
        %get3A_464 = tpu.memref_squeeze %get3A_463 : memref<1x8x2048xf32, #tpu.memory_space<vmem>> -> memref<8x2048xf32, #tpu.memory_space<vmem>>
        %get3A_465 = arith.index_cast %select_n3A_269 : i32 to index
        %get3A_466 = arith.index_cast %add3A_460 : i32 to index
        %get3A_467 = tpu.vector_load %get3A_464[%get3A_465, %get3A_466] {strides = array<i32>} : memref<8x2048xf32, #tpu.memory_space<vmem>>, vector<1x16xf32>,
        %get3A_468 = vector.shape_cast %get3A_467 : vector<1x16xf32> to vector<16xf32>
        %eq3A_469 = arith.constant 0.000000e+00 : f32
        %eq3A_470 = vector.broadcast %eq3A_469 : f32 to vector<16xf32>
        %eq3A_471 = arith.cmpf oeq, %get3A_468, %eq3A_470 : vector<16xf32>
        %select_n3A_472 = arith.select %eq3A_471, %get3A_468, %get3A_458 : vector<16xi1>, vector<16xf32>
        %sub3A_473 = arith.subf %select_n3A_472, %get3A_468 : vector<16xf32>
        %mul3A_474 = arith.mulf %sub3A_473, %sub3A_473 : vector<16xf32>
        %add3A_475 = arith.addf %add3A_448, %mul3A_474 : vector<16xf32>
        %add3A_476 = arith.constant 112 : i32
        %add3A_477 = arith.addi %mul3A_287, %add3A_476 : i32
        %get3A_478 = arith.constant 0 : i32
        %get3A_479 = arith.constant 0 : i32
        %get3A_480 = tpu.memref_slice %arg5[%scan3A_188, %get3A_478, %get3A_479] : memref<2x8x2048xf32, #tpu.memory_space<vmem>> -> memref<1x8x2048xf32, #tpu.memory_space<vmem>>
        %get3A_481 = tpu.memref_squeeze %get3A_480 : memref<1x8x2048xf32, #tpu.memory_space<vmem>> -> memref<8x2048xf32, #tpu.memory_space<vmem>>
        %get3A_482 = arith.index_cast %select_n3A_269 : i32 to index
        %get3A_483 = arith.index_cast %add3A_477 : i32 to index
        %get3A_484 = tpu.vector_load %get3A_481[%get3A_482, %get3A_483] {strides = array<i32>} : memref<8x2048xf32, #tpu.memory_space<vmem>>, vector<1x16xf32>,
        %get3A_485 = vector.shape_cast %get3A_484 : vector<1x16xf32> to vector<16xf32>
        %add3A_486 = arith.constant 112 : i32
        %add3A_487 = arith.addi %mul3A_287, %add3A_486 : i32
        %get3A_488 = arith.constant 0 : i32
        %get3A_489 = arith.constant 0 : i32
        %get3A_490 = tpu.memref_slice %arg6[%scan3A_189, %get3A_488, %get3A_489] : memref<2x8x2048xf32, #tpu.memory_space<vmem>> -> memref<1x8x2048xf32, #tpu.memory_space<vmem>>
        %get3A_491 = tpu.memref_squeeze %get3A_490 : memref<1x8x2048xf32, #tpu.memory_space<vmem>> -> memref<8x2048xf32, #tpu.memory_space<vmem>>
        %get3A_492 = arith.index_cast %select_n3A_269 : i32 to index
        %get3A_493 = arith.index_cast %add3A_487 : i32 to index
        %get3A_494 = tpu.vector_load %get3A_491[%get3A_492, %get3A_493] {strides = array<i32>} : memref<8x2048xf32, #tpu.memory_space<vmem>>, vector<1x16xf32>,
        %get3A_495 = vector.shape_cast %get3A_494 : vector<1x16xf32> to vector<16xf32>
        %eq3A_496 = arith.constant 0.000000e+00 : f32
        %eq3A_497 = vector.broadcast %eq3A_496 : f32 to vector<16xf32>
        %eq3A_498 = arith.cmpf oeq, %get3A_495, %eq3A_497 : vector<16xf32>
        %select_n3A_499 = arith.select %eq3A_498, %get3A_495, %get3A_485 : vector<16xi1>, vector<16xf32>
        %sub3A_500 = arith.subf %select_n3A_499, %get3A_495 : vector<16xf32>
        %mul3A_501 = arith.mulf %sub3A_500, %sub3A_500 : vector<16xf32>
        %add3A_502 = arith.addf %add3A_475, %mul3A_501 : vector<16xf32>
        scf.yield %add3A_502 : vector<16xf32>
      }
      %scan3A_195 = arith.constant 128 : i32
      %add3A_196 = arith.constant 1 : i32
      %add3A_197 = arith.addi %scan3A_116, %add3A_196 : i32
      %lt3A_198 = arith.constant 28 : i32
      %lt3A_199 = arith.cmpi slt, %add3A_197, %lt3A_198 : i32
      %convert_element_type3A = arith.extui %lt3A_199 : i1 to i32
      %cond3A = arith.constant 0 : i32
      %cond3A_200 = arith.cmpi ne, %convert_element_type3A, %cond3A : i32
      scf.if %cond3A_200 {
        %add3A_244 = arith.constant 2 : i32
        %add3A_245 = arith.addi %mul3A_119, %add3A_244 : i32
        %mul3A_246 = arith.constant 8 : i32
        %mul3A_247 = arith.muli %add3A_245, %mul3A_246 : i32
        %add3A_248 = arith.addi %add3A_34, %mul3A_247 : i32
        %dma_start3A_249 = arith.constant 0 : i32
        %dma_start3A_250 = arith.constant 0 : i32
        %dma_start3A_251 = arith.constant 0 : i32
        %dma_start3A_252 = tpu.memref_slice %arg5[%dma_start3A_249, %dma_start3A_250, %dma_start3A_251] : memref<2x8x2048xf32, #tpu.memory_space<vmem>> -> memref<1x8x2048xf32, #tpu.memory_space<vmem>>
        %dma_start3A_253 = tpu.memref_squeeze %dma_start3A_252 : memref<1x8x2048xf32, #tpu.memory_space<vmem>> -> memref<8x2048xf32, #tpu.memory_space<vmem>>
        %dma_start3A_254 = arith.constant 0 : i32
        %dma_start3A_255 = tpu.memref_slice %arg2[%select_n3A, %add3A_248, %dma_start3A_254] : memref<4x8192x2048xf32, #tpu.memory_space<hbm>> -> memref<1x8x2048xf32, #tpu.memory_space<hbm>>
        %dma_start3A_256 = tpu.memref_squeeze %dma_start3A_255 : memref<1x8x2048xf32, #tpu.memory_space<hbm>> -> memref<8x2048xf32, #tpu.memory_space<hbm>>
        %dma_start3A_257 = arith.constant 0 : i32
        %dma_start3A_258 = arith.constant 0 : i32
        %dma_start3A_259 = tpu.memref_slice %arg5[%dma_start3A_249, %dma_start3A_257, %dma_start3A_258] : memref<2x8x2048xf32, #tpu.memory_space<vmem>> -> memref<1x8x2048xf32, #tpu.memory_space<vmem>>
        %dma_start3A_260 = tpu.memref_squeeze %dma_start3A_259 : memref<1x8x2048xf32, #tpu.memory_space<vmem>> -> memref<8x2048xf32, #tpu.memory_space<vmem>>
        %dma_start3A_261 = arith.constant 0 : i32
        %dma_start3A_262 = tpu.memref_slice %arg2[%select_n3A, %add3A_248, %dma_start3A_261] : memref<4x8192x2048xf32, #tpu.memory_space<hbm>> -> memref<1x8x2048xf32, #tpu.memory_space<hbm>>
        %dma_start3A_263 = tpu.memref_squeeze %dma_start3A_262 : memref<1x8x2048xf32, #tpu.memory_space<hbm>> -> memref<8x2048xf32, #tpu.memory_space<hbm>>
        tpu.enqueue_dma source(%dma_start3A_263 : memref<8x2048xf32, #tpu.memory_space<hbm>>) target(%dma_start3A_260 : memref<8x2048xf32, #tpu.memory_space<vmem>>) target_semaphore(%arg8 : memref<!tpu.dma_semaphore, #tpu.memory_space<semaphore_mem>>)
        %dma_start3A_264 = arith.constant 0 : i32
        %dma_start3A_265 = arith.constant 0 : i32
        %dma_start3A_266 = arith.constant 0 : i32
        %dma_start3A_267 = tpu.memref_slice %arg6[%dma_start3A_264, %dma_start3A_265, %dma_start3A_266] : memref<2x8x2048xf32, #tpu.memory_space<vmem>> -> memref<1x8x2048xf32, #tpu.memory_space<vmem>>
        %dma_start3A_268 = tpu.memref_squeeze %dma_start3A_267 : memref<1x8x2048xf32, #tpu.memory_space<vmem>> -> memref<8x2048xf32, #tpu.memory_space<vmem>>
        %dma_start3A_269 = arith.constant 0 : i32
        %dma_start3A_270 = tpu.memref_slice %arg3[%select_n3A, %add3A_248, %dma_start3A_269] : memref<4x8192x2048xf32, #tpu.memory_space<hbm>> -> memref<1x8x2048xf32, #tpu.memory_space<hbm>>
        %dma_start3A_271 = tpu.memref_squeeze %dma_start3A_270 : memref<1x8x2048xf32, #tpu.memory_space<hbm>> -> memref<8x2048xf32, #tpu.memory_space<hbm>>
        %dma_start3A_272 = arith.constant 0 : i32
        %dma_start3A_273 = arith.constant 0 : i32
        %dma_start3A_274 = tpu.memref_slice %arg6[%dma_start3A_264, %dma_start3A_272, %dma_start3A_273] : memref<2x8x2048xf32, #tpu.memory_space<vmem>> -> memref<1x8x2048xf32, #tpu.memory_space<vmem>>
        %dma_start3A_275 = tpu.memref_squeeze %dma_start3A_274 : memref<1x8x2048xf32, #tpu.memory_space<vmem>> -> memref<8x2048xf32, #tpu.memory_space<vmem>>
        %dma_start3A_276 = arith.constant 0 : i32
        %dma_start3A_277 = tpu.memref_slice %arg3[%select_n3A, %add3A_248, %dma_start3A_276] : memref<4x8192x2048xf32, #tpu.memory_space<hbm>> -> memref<1x8x2048xf32, #tpu.memory_space<hbm>>
        %dma_start3A_278 = tpu.memref_squeeze %dma_start3A_277 : memref<1x8x2048xf32, #tpu.memory_space<hbm>> -> memref<8x2048xf32, #tpu.memory_space<hbm>>
        tpu.enqueue_dma source(%dma_start3A_278 : memref<8x2048xf32, #tpu.memory_space<hbm>>) target(%dma_start3A_275 : memref<8x2048xf32, #tpu.memory_space<vmem>>) target_semaphore(%arg10 : memref<!tpu.dma_semaphore, #tpu.memory_space<semaphore_mem>>)
      } else {
      }
      %add3A_201 = arith.constant 1 : i32
      %add3A_202 = arith.addi %mul3A_119, %add3A_201 : i32
      %mul3A_203 = arith.constant 8 : i32
      %mul3A_204 = arith.muli %add3A_202, %mul3A_203 : i32
      %add3A_205 = arith.addi %add3A_34, %mul3A_204 : i32
      %dma_wait3A_206 = arith.constant 1 : i32
      %dma_wait3A_207 = arith.constant 0 : i32
      %dma_wait3A_208 = arith.constant 0 : i32
      %dma_wait3A_209 = tpu.memref_slice %arg5[%dma_wait3A_206, %dma_wait3A_207, %dma_wait3A_208] : memref<2x8x2048xf32, #tpu.memory_space<vmem>> -> memref<1x8x2048xf32, #tpu.memory_space<vmem>>
      %dma_wait3A_210 = tpu.memref_squeeze %dma_wait3A_209 : memref<1x8x2048xf32, #tpu.memory_space<vmem>> -> memref<8x2048xf32, #tpu.memory_space<vmem>>
      %dma_wait3A_211 = arith.constant 0 : i32
      %dma_wait3A_212 = tpu.memref_slice %arg2[%select_n3A, %add3A_205, %dma_wait3A_211] : memref<4x8192x2048xf32, #tpu.memory_space<hbm>> -> memref<1x8x2048xf32, #tpu.memory_space<hbm>>
      %dma_wait3A_213 = tpu.memref_squeeze %dma_wait3A_212 : memref<1x8x2048xf32, #tpu.memory_space<hbm>> -> memref<8x2048xf32, #tpu.memory_space<hbm>>
      %dma_wait3A_214 = arith.constant 0 : i32
      %dma_wait3A_215 = arith.constant 0 : i32
      %dma_wait3A_216 = tpu.memref_slice %arg5[%dma_wait3A_206, %dma_wait3A_214, %dma_wait3A_215] : memref<2x8x2048xf32, #tpu.memory_space<vmem>> -> memref<1x8x2048xf32, #tpu.memory_space<vmem>>
      %dma_wait3A_217 = tpu.memref_squeeze %dma_wait3A_216 : memref<1x8x2048xf32, #tpu.memory_space<vmem>> -> memref<8x2048xf32, #tpu.memory_space<vmem>>
      %dma_wait3A_218 = arith.constant 0 : i32
      %dma_wait3A_219 = tpu.memref_slice %arg2[%select_n3A, %add3A_205, %dma_wait3A_218] : memref<4x8192x2048xf32, #tpu.memory_space<hbm>> -> memref<1x8x2048xf32, #tpu.memory_space<hbm>>
      %dma_wait3A_220 = tpu.memref_squeeze %dma_wait3A_219 : memref<1x8x2048xf32, #tpu.memory_space<hbm>> -> memref<8x2048xf32, #tpu.memory_space<hbm>>
      tpu.wait_dma2 semaphore(%arg9 : memref<!tpu.dma_semaphore, #tpu.memory_space<semaphore_mem>>) src(%dma_wait3A_220 : memref<8x2048xf32, #tpu.memory_space<hbm>>) dst(%dma_wait3A_217 : memref<8x2048xf32, #tpu.memory_space<vmem>>)
      %dma_wait3A_221 = arith.constant 1 : i32
      %dma_wait3A_222 = arith.constant 0 : i32
      %dma_wait3A_223 = arith.constant 0 : i32
      %dma_wait3A_224 = tpu.memref_slice %arg6[%dma_wait3A_221, %dma_wait3A_222, %dma_wait3A_223] : memref<2x8x2048xf32, #tpu.memory_space<vmem>> -> memref<1x8x2048xf32, #tpu.memory_space<vmem>>
      %dma_wait3A_225 = tpu.memref_squeeze %dma_wait3A_224 : memref<1x8x2048xf32, #tpu.memory_space<vmem>> -> memref<8x2048xf32, #tpu.memory_space<vmem>>
      %dma_wait3A_226 = arith.constant 0 : i32
      %dma_wait3A_227 = tpu.memref_slice %arg3[%select_n3A, %add3A_205, %dma_wait3A_226] : memref<4x8192x2048xf32, #tpu.memory_space<hbm>> -> memref<1x8x2048xf32, #tpu.memory_space<hbm>>
      %dma_wait3A_228 = tpu.memref_squeeze %dma_wait3A_227 : memref<1x8x2048xf32, #tpu.memory_space<hbm>> -> memref<8x2048xf32, #tpu.memory_space<hbm>>
      %dma_wait3A_229 = arith.constant 0 : i32
      %dma_wait3A_230 = arith.constant 0 : i32
      %dma_wait3A_231 = tpu.memref_slice %arg6[%dma_wait3A_221, %dma_wait3A_229, %dma_wait3A_230] : memref<2x8x2048xf32, #tpu.memory_space<vmem>> -> memref<1x8x2048xf32, #tpu.memory_space<vmem>>
      %dma_wait3A_232 = tpu.memref_squeeze %dma_wait3A_231 : memref<1x8x2048xf32, #tpu.memory_space<vmem>> -> memref<8x2048xf32, #tpu.memory_space<vmem>>
      %dma_wait3A_233 = arith.constant 0 : i32
      %dma_wait3A_234 = tpu.memref_slice %arg3[%select_n3A, %add3A_205, %dma_wait3A_233] : memref<4x8192x2048xf32, #tpu.memory_space<hbm>> -> memref<1x8x2048xf32, #tpu.memory_space<hbm>>
      %dma_wait3A_235 = tpu.memref_squeeze %dma_wait3A_234 : memref<1x8x2048xf32, #tpu.memory_space<hbm>> -> memref<8x2048xf32, #tpu.memory_space<hbm>>
      tpu.wait_dma2 semaphore(%arg11 : memref<!tpu.dma_semaphore, #tpu.memory_space<semaphore_mem>>) src(%dma_wait3A_235 : memref<8x2048xf32, #tpu.memory_space<hbm>>) dst(%dma_wait3A_232 : memref<8x2048xf32, #tpu.memory_space<vmem>>)
      %scan3A_236 = arith.constant 1 : i32
      %scan3A_237 = arith.constant 1 : i32
      %scan3A_238 = arith.constant 0 : i32
      %scan3A_239 = arith.constant 128 : i32
      %scan3A_240 = arith.addi %scan3A_238, %scan3A_239 : i32
      %scan3A_241 = arith.constant 1 : i32
      %scan3A_242 = scf.for %scan3A_244 = %scan3A_238 to %scan3A_240 step %scan3A_241 iter_args(%scan3A_245 = %scan3A_194) -> (vector<16xf32>)  : i32 {
        %jit3A_246 = arith.constant 16 : i32
        %div3A_247 = arith.divsi %scan3A_244, %jit3A_246 : i32
        %sign3A_248 = arith.constant 0 : i32
        %sign3A_249 = arith.cmpi sgt, %scan3A_244, %sign3A_248 : i32
        %sign3A_250 = arith.extui %sign3A_249 : i1 to i32
        %sign3A_251 = arith.constant 0 : i32
        %sign3A_252 = arith.cmpi slt, %scan3A_244, %sign3A_251 : i32
        %sign3A_253 = arith.extui %sign3A_252 : i1 to i32
        %sign3A_254 = arith.subi %sign3A_250, %sign3A_253 : i32
        %sign3A_255 = arith.constant 0 : i32
        %sign3A_256 = arith.cmpi sgt, %jit3A_246, %sign3A_255 : i32
        %sign3A_257 = arith.extui %sign3A_256 : i1 to i32
        %sign3A_258 = arith.constant 0 : i32
        %sign3A_259 = arith.cmpi slt, %jit3A_246, %sign3A_258 : i32
        %sign3A_260 = arith.extui %sign3A_259 : i1 to i32
        %sign3A_261 = arith.subi %sign3A_257, %sign3A_260 : i32
        %ne3A_262 = arith.cmpi ne, %sign3A_254, %sign3A_261 : i32
        %rem3A_263 = arith.remsi %scan3A_244, %jit3A_246 : i32
        %ne3A_264 = arith.constant 0 : i32
        %ne3A_265 = arith.cmpi ne, %rem3A_263, %ne3A_264 : i32
        %and3A_266 = arith.andi %ne3A_262, %ne3A_265 : i1
        %sub3A_267 = arith.constant 1 : i32
        %sub3A_268 = arith.subi %div3A_247, %sub3A_267 : i32
        %select_n3A_269 = arith.select %and3A_266, %sub3A_268, %div3A_247 : i32
        %jit3A_270 = arith.constant 16 : i32
        %eq3A_271 = arith.constant 0 : i32
        %eq3A_272 = arith.cmpi eq, %jit3A_270, %eq3A_271 : i32
        %jit3A_273 = arith.constant 1 : i32
        %select_n3A_274 = arith.select %eq3A_272, %jit3A_273, %jit3A_270 : i32
        %rem3A_275 = arith.remsi %scan3A_244, %select_n3A_274 : i32
        %ne3A_276 = arith.constant 0 : i32
        %ne3A_277 = arith.cmpi ne, %rem3A_275, %ne3A_276 : i32
        %lt3A_278 = arith.constant 0 : i32
        %lt3A_279 = arith.cmpi slt, %rem3A_275, %lt3A_278 : i32
        %lt3A_280 = arith.constant 0 : i32
        %lt3A_281 = arith.cmpi slt, %select_n3A_274, %lt3A_280 : i32
        %ne3A_282 = arith.xori %lt3A_279, %lt3A_281 : i1
        %and3A_283 = arith.andi %ne3A_282, %ne3A_277 : i1
        %add3A_284 = arith.addi %rem3A_275, %select_n3A_274 : i32
        %select_n3A_285 = arith.select %and3A_283, %add3A_284, %rem3A_275 : i32
        %mul3A_286 = arith.constant 128 : i32
        %mul3A_287 = arith.muli %select_n3A_285, %mul3A_286 : i32
        %add3A_288 = arith.constant 0 : i32
        %add3A_289 = arith.addi %mul3A_287, %add3A_288 : i32
        %get3A = arith.constant 0 : i32
        %get3A_290 = arith.constant 0 : i32
        %get3A_291 = tpu.memref_slice %arg5[%scan3A_236, %get3A, %get3A_290] : memref<2x8x2048xf32, #tpu.memory_space<vmem>> -> memref<1x8x2048xf32, #tpu.memory_space<vmem>>
        %get3A_292 = tpu.memref_squeeze %get3A_291 : memref<1x8x2048xf32, #tpu.memory_space<vmem>> -> memref<8x2048xf32, #tpu.memory_space<vmem>>
        %get3A_293 = arith.index_cast %select_n3A_269 : i32 to index
        %get3A_294 = arith.index_cast %add3A_289 : i32 to index
        %get3A_295 = tpu.vector_load %get3A_292[%get3A_293, %get3A_294] {strides = array<i32>} : memref<8x2048xf32, #tpu.memory_space<vmem>>, vector<1x16xf32>,
        %get3A_296 = vector.shape_cast %get3A_295 : vector<1x16xf32> to vector<16xf32>
        %add3A_297 = arith.constant 0 : i32
        %add3A_298 = arith.addi %mul3A_287, %add3A_297 : i32
        %get3A_299 = arith.constant 0 : i32
        %get3A_300 = arith.constant 0 : i32
        %get3A_301 = tpu.memref_slice %arg6[%scan3A_237, %get3A_299, %get3A_300] : memref<2x8x2048xf32, #tpu.memory_space<vmem>> -> memref<1x8x2048xf32, #tpu.memory_space<vmem>>
        %get3A_302 = tpu.memref_squeeze %get3A_301 : memref<1x8x2048xf32, #tpu.memory_space<vmem>> -> memref<8x2048xf32, #tpu.memory_space<vmem>>
        %get3A_303 = arith.index_cast %select_n3A_269 : i32 to index
        %get3A_304 = arith.index_cast %add3A_298 : i32 to index
        %get3A_305 = tpu.vector_load %get3A_302[%get3A_303, %get3A_304] {strides = array<i32>} : memref<8x2048xf32, #tpu.memory_space<vmem>>, vector<1x16xf32>,
        %get3A_306 = vector.shape_cast %get3A_305 : vector<1x16xf32> to vector<16xf32>
        %eq3A_307 = arith.constant 0.000000e+00 : f32
        %eq3A_308 = vector.broadcast %eq3A_307 : f32 to vector<16xf32>
        %eq3A_309 = arith.cmpf oeq, %get3A_306, %eq3A_308 : vector<16xf32>
        %select_n3A_310 = arith.select %eq3A_309, %get3A_306, %get3A_296 : vector<16xi1>, vector<16xf32>
        %sub3A_311 = arith.subf %select_n3A_310, %get3A_306 : vector<16xf32>
        %mul3A_312 = arith.mulf %sub3A_311, %sub3A_311 : vector<16xf32>
        %add3A_313 = arith.addf %scan3A_245, %mul3A_312 : vector<16xf32>
        %add3A_314 = arith.constant 16 : i32
        %add3A_315 = arith.addi %mul3A_287, %add3A_314 : i32
        %get3A_316 = arith.constant 0 : i32
        %get3A_317 = arith.constant 0 : i32
        %get3A_318 = tpu.memref_slice %arg5[%scan3A_236, %get3A_316, %get3A_317] : memref<2x8x2048xf32, #tpu.memory_space<vmem>> -> memref<1x8x2048xf32, #tpu.memory_space<vmem>>
        %get3A_319 = tpu.memref_squeeze %get3A_318 : memref<1x8x2048xf32, #tpu.memory_space<vmem>> -> memref<8x2048xf32, #tpu.memory_space<vmem>>
        %get3A_320 = arith.index_cast %select_n3A_269 : i32 to index
        %get3A_321 = arith.index_cast %add3A_315 : i32 to index
        %get3A_322 = tpu.vector_load %get3A_319[%get3A_320, %get3A_321] {strides = array<i32>} : memref<8x2048xf32, #tpu.memory_space<vmem>>, vector<1x16xf32>,
        %get3A_323 = vector.shape_cast %get3A_322 : vector<1x16xf32> to vector<16xf32>
        %add3A_324 = arith.constant 16 : i32
        %add3A_325 = arith.addi %mul3A_287, %add3A_324 : i32
        %get3A_326 = arith.constant 0 : i32
        %get3A_327 = arith.constant 0 : i32
        %get3A_328 = tpu.memref_slice %arg6[%scan3A_237, %get3A_326, %get3A_327] : memref<2x8x2048xf32, #tpu.memory_space<vmem>> -> memref<1x8x2048xf32, #tpu.memory_space<vmem>>
        %get3A_329 = tpu.memref_squeeze %get3A_328 : memref<1x8x2048xf32, #tpu.memory_space<vmem>> -> memref<8x2048xf32, #tpu.memory_space<vmem>>
        %get3A_330 = arith.index_cast %select_n3A_269 : i32 to index
        %get3A_331 = arith.index_cast %add3A_325 : i32 to index
        %get3A_332 = tpu.vector_load %get3A_329[%get3A_330, %get3A_331] {strides = array<i32>} : memref<8x2048xf32, #tpu.memory_space<vmem>>, vector<1x16xf32>,
        %get3A_333 = vector.shape_cast %get3A_332 : vector<1x16xf32> to vector<16xf32>
        %eq3A_334 = arith.constant 0.000000e+00 : f32
        %eq3A_335 = vector.broadcast %eq3A_334 : f32 to vector<16xf32>
        %eq3A_336 = arith.cmpf oeq, %get3A_333, %eq3A_335 : vector<16xf32>
        %select_n3A_337 = arith.select %eq3A_336, %get3A_333, %get3A_323 : vector<16xi1>, vector<16xf32>
        %sub3A_338 = arith.subf %select_n3A_337, %get3A_333 : vector<16xf32>
        %mul3A_339 = arith.mulf %sub3A_338, %sub3A_338 : vector<16xf32>
        %add3A_340 = arith.addf %add3A_313, %mul3A_339 : vector<16xf32>
        %add3A_341 = arith.constant 32 : i32
        %add3A_342 = arith.addi %mul3A_287, %add3A_341 : i32
        %get3A_343 = arith.constant 0 : i32
        %get3A_344 = arith.constant 0 : i32
        %get3A_345 = tpu.memref_slice %arg5[%scan3A_236, %get3A_343, %get3A_344] : memref<2x8x2048xf32, #tpu.memory_space<vmem>> -> memref<1x8x2048xf32, #tpu.memory_space<vmem>>
        %get3A_346 = tpu.memref_squeeze %get3A_345 : memref<1x8x2048xf32, #tpu.memory_space<vmem>> -> memref<8x2048xf32, #tpu.memory_space<vmem>>
        %get3A_347 = arith.index_cast %select_n3A_269 : i32 to index
        %get3A_348 = arith.index_cast %add3A_342 : i32 to index
        %get3A_349 = tpu.vector_load %get3A_346[%get3A_347, %get3A_348] {strides = array<i32>} : memref<8x2048xf32, #tpu.memory_space<vmem>>, vector<1x16xf32>,
        %get3A_350 = vector.shape_cast %get3A_349 : vector<1x16xf32> to vector<16xf32>
        %add3A_351 = arith.constant 32 : i32
        %add3A_352 = arith.addi %mul3A_287, %add3A_351 : i32
        %get3A_353 = arith.constant 0 : i32
        %get3A_354 = arith.constant 0 : i32
        %get3A_355 = tpu.memref_slice %arg6[%scan3A_237, %get3A_353, %get3A_354] : memref<2x8x2048xf32, #tpu.memory_space<vmem>> -> memref<1x8x2048xf32, #tpu.memory_space<vmem>>
        %get3A_356 = tpu.memref_squeeze %get3A_355 : memref<1x8x2048xf32, #tpu.memory_space<vmem>> -> memref<8x2048xf32, #tpu.memory_space<vmem>>
        %get3A_357 = arith.index_cast %select_n3A_269 : i32 to index
        %get3A_358 = arith.index_cast %add3A_352 : i32 to index
        %get3A_359 = tpu.vector_load %get3A_356[%get3A_357, %get3A_358] {strides = array<i32>} : memref<8x2048xf32, #tpu.memory_space<vmem>>, vector<1x16xf32>,
        %get3A_360 = vector.shape_cast %get3A_359 : vector<1x16xf32> to vector<16xf32>
        %eq3A_361 = arith.constant 0.000000e+00 : f32
        %eq3A_362 = vector.broadcast %eq3A_361 : f32 to vector<16xf32>
        %eq3A_363 = arith.cmpf oeq, %get3A_360, %eq3A_362 : vector<16xf32>
        %select_n3A_364 = arith.select %eq3A_363, %get3A_360, %get3A_350 : vector<16xi1>, vector<16xf32>
        %sub3A_365 = arith.subf %select_n3A_364, %get3A_360 : vector<16xf32>
        %mul3A_366 = arith.mulf %sub3A_365, %sub3A_365 : vector<16xf32>
        %add3A_367 = arith.addf %add3A_340, %mul3A_366 : vector<16xf32>
        %add3A_368 = arith.constant 48 : i32
        %add3A_369 = arith.addi %mul3A_287, %add3A_368 : i32
        %get3A_370 = arith.constant 0 : i32
        %get3A_371 = arith.constant 0 : i32
        %get3A_372 = tpu.memref_slice %arg5[%scan3A_236, %get3A_370, %get3A_371] : memref<2x8x2048xf32, #tpu.memory_space<vmem>> -> memref<1x8x2048xf32, #tpu.memory_space<vmem>>
        %get3A_373 = tpu.memref_squeeze %get3A_372 : memref<1x8x2048xf32, #tpu.memory_space<vmem>> -> memref<8x2048xf32, #tpu.memory_space<vmem>>
        %get3A_374 = arith.index_cast %select_n3A_269 : i32 to index
        %get3A_375 = arith.index_cast %add3A_369 : i32 to index
        %get3A_376 = tpu.vector_load %get3A_373[%get3A_374, %get3A_375] {strides = array<i32>} : memref<8x2048xf32, #tpu.memory_space<vmem>>, vector<1x16xf32>,
        %get3A_377 = vector.shape_cast %get3A_376 : vector<1x16xf32> to vector<16xf32>
        %add3A_378 = arith.constant 48 : i32
        %add3A_379 = arith.addi %mul3A_287, %add3A_378 : i32
        %get3A_380 = arith.constant 0 : i32
        %get3A_381 = arith.constant 0 : i32
        %get3A_382 = tpu.memref_slice %arg6[%scan3A_237, %get3A_380, %get3A_381] : memref<2x8x2048xf32, #tpu.memory_space<vmem>> -> memref<1x8x2048xf32, #tpu.memory_space<vmem>>
        %get3A_383 = tpu.memref_squeeze %get3A_382 : memref<1x8x2048xf32, #tpu.memory_space<vmem>> -> memref<8x2048xf32, #tpu.memory_space<vmem>>
        %get3A_384 = arith.index_cast %select_n3A_269 : i32 to index
        %get3A_385 = arith.index_cast %add3A_379 : i32 to index
        %get3A_386 = tpu.vector_load %get3A_383[%get3A_384, %get3A_385] {strides = array<i32>} : memref<8x2048xf32, #tpu.memory_space<vmem>>, vector<1x16xf32>,
        %get3A_387 = vector.shape_cast %get3A_386 : vector<1x16xf32> to vector<16xf32>
        %eq3A_388 = arith.constant 0.000000e+00 : f32
        %eq3A_389 = vector.broadcast %eq3A_388 : f32 to vector<16xf32>
        %eq3A_390 = arith.cmpf oeq, %get3A_387, %eq3A_389 : vector<16xf32>
        %select_n3A_391 = arith.select %eq3A_390, %get3A_387, %get3A_377 : vector<16xi1>, vector<16xf32>
        %sub3A_392 = arith.subf %select_n3A_391, %get3A_387 : vector<16xf32>
        %mul3A_393 = arith.mulf %sub3A_392, %sub3A_392 : vector<16xf32>
        %add3A_394 = arith.addf %add3A_367, %mul3A_393 : vector<16xf32>
        %add3A_395 = arith.constant 64 : i32
        %add3A_396 = arith.addi %mul3A_287, %add3A_395 : i32
        %get3A_397 = arith.constant 0 : i32
        %get3A_398 = arith.constant 0 : i32
        %get3A_399 = tpu.memref_slice %arg5[%scan3A_236, %get3A_397, %get3A_398] : memref<2x8x2048xf32, #tpu.memory_space<vmem>> -> memref<1x8x2048xf32, #tpu.memory_space<vmem>>
        %get3A_400 = tpu.memref_squeeze %get3A_399 : memref<1x8x2048xf32, #tpu.memory_space<vmem>> -> memref<8x2048xf32, #tpu.memory_space<vmem>>
        %get3A_401 = arith.index_cast %select_n3A_269 : i32 to index
        %get3A_402 = arith.index_cast %add3A_396 : i32 to index
        %get3A_403 = tpu.vector_load %get3A_400[%get3A_401, %get3A_402] {strides = array<i32>} : memref<8x2048xf32, #tpu.memory_space<vmem>>, vector<1x16xf32>,
        %get3A_404 = vector.shape_cast %get3A_403 : vector<1x16xf32> to vector<16xf32>
        %add3A_405 = arith.constant 64 : i32
        %add3A_406 = arith.addi %mul3A_287, %add3A_405 : i32
        %get3A_407 = arith.constant 0 : i32
        %get3A_408 = arith.constant 0 : i32
        %get3A_409 = tpu.memref_slice %arg6[%scan3A_237, %get3A_407, %get3A_408] : memref<2x8x2048xf32, #tpu.memory_space<vmem>> -> memref<1x8x2048xf32, #tpu.memory_space<vmem>>
        %get3A_410 = tpu.memref_squeeze %get3A_409 : memref<1x8x2048xf32, #tpu.memory_space<vmem>> -> memref<8x2048xf32, #tpu.memory_space<vmem>>
        %get3A_411 = arith.index_cast %select_n3A_269 : i32 to index
        %get3A_412 = arith.index_cast %add3A_406 : i32 to index
        %get3A_413 = tpu.vector_load %get3A_410[%get3A_411, %get3A_412] {strides = array<i32>} : memref<8x2048xf32, #tpu.memory_space<vmem>>, vector<1x16xf32>,
        %get3A_414 = vector.shape_cast %get3A_413 : vector<1x16xf32> to vector<16xf32>
        %eq3A_415 = arith.constant 0.000000e+00 : f32
        %eq3A_416 = vector.broadcast %eq3A_415 : f32 to vector<16xf32>
        %eq3A_417 = arith.cmpf oeq, %get3A_414, %eq3A_416 : vector<16xf32>
        %select_n3A_418 = arith.select %eq3A_417, %get3A_414, %get3A_404 : vector<16xi1>, vector<16xf32>
        %sub3A_419 = arith.subf %select_n3A_418, %get3A_414 : vector<16xf32>
        %mul3A_420 = arith.mulf %sub3A_419, %sub3A_419 : vector<16xf32>
        %add3A_421 = arith.addf %add3A_394, %mul3A_420 : vector<16xf32>
        %add3A_422 = arith.constant 80 : i32
        %add3A_423 = arith.addi %mul3A_287, %add3A_422 : i32
        %get3A_424 = arith.constant 0 : i32
        %get3A_425 = arith.constant 0 : i32
        %get3A_426 = tpu.memref_slice %arg5[%scan3A_236, %get3A_424, %get3A_425] : memref<2x8x2048xf32, #tpu.memory_space<vmem>> -> memref<1x8x2048xf32, #tpu.memory_space<vmem>>
        %get3A_427 = tpu.memref_squeeze %get3A_426 : memref<1x8x2048xf32, #tpu.memory_space<vmem>> -> memref<8x2048xf32, #tpu.memory_space<vmem>>
        %get3A_428 = arith.index_cast %select_n3A_269 : i32 to index
        %get3A_429 = arith.index_cast %add3A_423 : i32 to index
        %get3A_430 = tpu.vector_load %get3A_427[%get3A_428, %get3A_429] {strides = array<i32>} : memref<8x2048xf32, #tpu.memory_space<vmem>>, vector<1x16xf32>,
        %get3A_431 = vector.shape_cast %get3A_430 : vector<1x16xf32> to vector<16xf32>
        %add3A_432 = arith.constant 80 : i32
        %add3A_433 = arith.addi %mul3A_287, %add3A_432 : i32
        %get3A_434 = arith.constant 0 : i32
        %get3A_435 = arith.constant 0 : i32
        %get3A_436 = tpu.memref_slice %arg6[%scan3A_237, %get3A_434, %get3A_435] : memref<2x8x2048xf32, #tpu.memory_space<vmem>> -> memref<1x8x2048xf32, #tpu.memory_space<vmem>>
        %get3A_437 = tpu.memref_squeeze %get3A_436 : memref<1x8x2048xf32, #tpu.memory_space<vmem>> -> memref<8x2048xf32, #tpu.memory_space<vmem>>
        %get3A_438 = arith.index_cast %select_n3A_269 : i32 to index
        %get3A_439 = arith.index_cast %add3A_433 : i32 to index
        %get3A_440 = tpu.vector_load %get3A_437[%get3A_438, %get3A_439] {strides = array<i32>} : memref<8x2048xf32, #tpu.memory_space<vmem>>, vector<1x16xf32>,
        %get3A_441 = vector.shape_cast %get3A_440 : vector<1x16xf32> to vector<16xf32>
        %eq3A_442 = arith.constant 0.000000e+00 : f32
        %eq3A_443 = vector.broadcast %eq3A_442 : f32 to vector<16xf32>
        %eq3A_444 = arith.cmpf oeq, %get3A_441, %eq3A_443 : vector<16xf32>
        %select_n3A_445 = arith.select %eq3A_444, %get3A_441, %get3A_431 : vector<16xi1>, vector<16xf32>
        %sub3A_446 = arith.subf %select_n3A_445, %get3A_441 : vector<16xf32>
        %mul3A_447 = arith.mulf %sub3A_446, %sub3A_446 : vector<16xf32>
        %add3A_448 = arith.addf %add3A_421, %mul3A_447 : vector<16xf32>
        %add3A_449 = arith.constant 96 : i32
        %add3A_450 = arith.addi %mul3A_287, %add3A_449 : i32
        %get3A_451 = arith.constant 0 : i32
        %get3A_452 = arith.constant 0 : i32
        %get3A_453 = tpu.memref_slice %arg5[%scan3A_236, %get3A_451, %get3A_452] : memref<2x8x2048xf32, #tpu.memory_space<vmem>> -> memref<1x8x2048xf32, #tpu.memory_space<vmem>>
        %get3A_454 = tpu.memref_squeeze %get3A_453 : memref<1x8x2048xf32, #tpu.memory_space<vmem>> -> memref<8x2048xf32, #tpu.memory_space<vmem>>
        %get3A_455 = arith.index_cast %select_n3A_269 : i32 to index
        %get3A_456 = arith.index_cast %add3A_450 : i32 to index
        %get3A_457 = tpu.vector_load %get3A_454[%get3A_455, %get3A_456] {strides = array<i32>} : memref<8x2048xf32, #tpu.memory_space<vmem>>, vector<1x16xf32>,
        %get3A_458 = vector.shape_cast %get3A_457 : vector<1x16xf32> to vector<16xf32>
        %add3A_459 = arith.constant 96 : i32
        %add3A_460 = arith.addi %mul3A_287, %add3A_459 : i32
        %get3A_461 = arith.constant 0 : i32
        %get3A_462 = arith.constant 0 : i32
        %get3A_463 = tpu.memref_slice %arg6[%scan3A_237, %get3A_461, %get3A_462] : memref<2x8x2048xf32, #tpu.memory_space<vmem>> -> memref<1x8x2048xf32, #tpu.memory_space<vmem>>
        %get3A_464 = tpu.memref_squeeze %get3A_463 : memref<1x8x2048xf32, #tpu.memory_space<vmem>> -> memref<8x2048xf32, #tpu.memory_space<vmem>>
        %get3A_465 = arith.index_cast %select_n3A_269 : i32 to index
        %get3A_466 = arith.index_cast %add3A_460 : i32 to index
        %get3A_467 = tpu.vector_load %get3A_464[%get3A_465, %get3A_466] {strides = array<i32>} : memref<8x2048xf32, #tpu.memory_space<vmem>>, vector<1x16xf32>,
        %get3A_468 = vector.shape_cast %get3A_467 : vector<1x16xf32> to vector<16xf32>
        %eq3A_469 = arith.constant 0.000000e+00 : f32
        %eq3A_470 = vector.broadcast %eq3A_469 : f32 to vector<16xf32>
        %eq3A_471 = arith.cmpf oeq, %get3A_468, %eq3A_470 : vector<16xf32>
        %select_n3A_472 = arith.select %eq3A_471, %get3A_468, %get3A_458 : vector<16xi1>, vector<16xf32>
        %sub3A_473 = arith.subf %select_n3A_472, %get3A_468 : vector<16xf32>
        %mul3A_474 = arith.mulf %sub3A_473, %sub3A_473 : vector<16xf32>
        %add3A_475 = arith.addf %add3A_448, %mul3A_474 : vector<16xf32>
        %add3A_476 = arith.constant 112 : i32
        %add3A_477 = arith.addi %mul3A_287, %add3A_476 : i32
        %get3A_478 = arith.constant 0 : i32
        %get3A_479 = arith.constant 0 : i32
        %get3A_480 = tpu.memref_slice %arg5[%scan3A_236, %get3A_478, %get3A_479] : memref<2x8x2048xf32, #tpu.memory_space<vmem>> -> memref<1x8x2048xf32, #tpu.memory_space<vmem>>
        %get3A_481 = tpu.memref_squeeze %get3A_480 : memref<1x8x2048xf32, #tpu.memory_space<vmem>> -> memref<8x2048xf32, #tpu.memory_space<vmem>>
        %get3A_482 = arith.index_cast %select_n3A_269 : i32 to index
        %get3A_483 = arith.index_cast %add3A_477 : i32 to index
        %get3A_484 = tpu.vector_load %get3A_481[%get3A_482, %get3A_483] {strides = array<i32>} : memref<8x2048xf32, #tpu.memory_space<vmem>>, vector<1x16xf32>,
        %get3A_485 = vector.shape_cast %get3A_484 : vector<1x16xf32> to vector<16xf32>
        %add3A_486 = arith.constant 112 : i32
        %add3A_487 = arith.addi %mul3A_287, %add3A_486 : i32
        %get3A_488 = arith.constant 0 : i32
        %get3A_489 = arith.constant 0 : i32
        %get3A_490 = tpu.memref_slice %arg6[%scan3A_237, %get3A_488, %get3A_489] : memref<2x8x2048xf32, #tpu.memory_space<vmem>> -> memref<1x8x2048xf32, #tpu.memory_space<vmem>>
        %get3A_491 = tpu.memref_squeeze %get3A_490 : memref<1x8x2048xf32, #tpu.memory_space<vmem>> -> memref<8x2048xf32, #tpu.memory_space<vmem>>
        %get3A_492 = arith.index_cast %select_n3A_269 : i32 to index
        %get3A_493 = arith.index_cast %add3A_487 : i32 to index
        %get3A_494 = tpu.vector_load %get3A_491[%get3A_492, %get3A_493] {strides = array<i32>} : memref<8x2048xf32, #tpu.memory_space<vmem>>, vector<1x16xf32>,
        %get3A_495 = vector.shape_cast %get3A_494 : vector<1x16xf32> to vector<16xf32>
        %eq3A_496 = arith.constant 0.000000e+00 : f32
        %eq3A_497 = vector.broadcast %eq3A_496 : f32 to vector<16xf32>
        %eq3A_498 = arith.cmpf oeq, %get3A_495, %eq3A_497 : vector<16xf32>
        %select_n3A_499 = arith.select %eq3A_498, %get3A_495, %get3A_485 : vector<16xi1>, vector<16xf32>
        %sub3A_500 = arith.subf %select_n3A_499, %get3A_495 : vector<16xf32>
        %mul3A_501 = arith.mulf %sub3A_500, %sub3A_500 : vector<16xf32>
        %add3A_502 = arith.addf %add3A_475, %mul3A_501 : vector<16xf32>
        scf.yield %add3A_502 : vector<16xf32>
      }
      %scan3A_243 = arith.constant 128 : i32
      scf.yield %scan3A_242 : vector<16xf32>
    }
    %scan3A_71 = arith.constant 28 : i32
    %broadcast_in_dim3A_72 = arith.constant 0.000000e+00 : f32
    %broadcast_in_dim3A_73 = vector.broadcast %broadcast_in_dim3A_72 : f32 to vector<16xf32>
    %swap3A = arith.constant 0 : index
    %swap3A_74 = tpu.vector_load %arg7[%swap3A] {strides = array<i32>} : memref<128xf32, #tpu.memory_space<vmem>>, vector<16xf32>,
    %swap3A_75 = vector.shape_cast %swap3A_74 : vector<16xf32> to vector<16xf32>
    %swap3A_76 = vector.shape_cast %scan3A_70 : vector<16xf32> to vector<16xf32>
    tpu.vector_store %arg7[%swap3A], %swap3A_76 {strides = array<i32>} : memref<128xf32, #tpu.memory_space<vmem>>, vector<16xf32>,
    %swap3A_77 = arith.constant 16 : index
    %swap3A_78 = tpu.vector_load %arg7[%swap3A_77] {strides = array<i32>} : memref<128xf32, #tpu.memory_space<vmem>>, vector<16xf32>,
    %swap3A_79 = vector.shape_cast %swap3A_78 : vector<16xf32> to vector<16xf32>
    %swap3A_80 = vector.shape_cast %broadcast_in_dim3A_73 : vector<16xf32> to vector<16xf32>
    tpu.vector_store %arg7[%swap3A_77], %swap3A_80 {strides = array<i32>} : memref<128xf32, #tpu.memory_space<vmem>>, vector<16xf32>,
    %swap3A_81 = arith.constant 32 : index
    %swap3A_82 = tpu.vector_load %arg7[%swap3A_81] {strides = array<i32>} : memref<128xf32, #tpu.memory_space<vmem>>, vector<16xf32>,
    %swap3A_83 = vector.shape_cast %swap3A_82 : vector<16xf32> to vector<16xf32>
    %swap3A_84 = vector.shape_cast %broadcast_in_dim3A_73 : vector<16xf32> to vector<16xf32>
    tpu.vector_store %arg7[%swap3A_81], %swap3A_84 {strides = array<i32>} : memref<128xf32, #tpu.memory_space<vmem>>, vector<16xf32>,
    %swap3A_85 = arith.constant 48 : index
    %swap3A_86 = tpu.vector_load %arg7[%swap3A_85] {strides = array<i32>} : memref<128xf32, #tpu.memory_space<vmem>>, vector<16xf32>,
    %swap3A_87 = vector.shape_cast %swap3A_86 : vector<16xf32> to vector<16xf32>
    %swap3A_88 = vector.shape_cast %broadcast_in_dim3A_73 : vector<16xf32> to vector<16xf32>
    tpu.vector_store %arg7[%swap3A_85], %swap3A_88 {strides = array<i32>} : memref<128xf32, #tpu.memory_space<vmem>>, vector<16xf32>,
    %swap3A_89 = arith.constant 64 : index
    %swap3A_90 = tpu.vector_load %arg7[%swap3A_89] {strides = array<i32>} : memref<128xf32, #tpu.memory_space<vmem>>, vector<16xf32>,
    %swap3A_91 = vector.shape_cast %swap3A_90 : vector<16xf32> to vector<16xf32>
    %swap3A_92 = vector.shape_cast %broadcast_in_dim3A_73 : vector<16xf32> to vector<16xf32>
    tpu.vector_store %arg7[%swap3A_89], %swap3A_92 {strides = array<i32>} : memref<128xf32, #tpu.memory_space<vmem>>, vector<16xf32>,
    %swap3A_93 = arith.constant 80 : index
    %swap3A_94 = tpu.vector_load %arg7[%swap3A_93] {strides = array<i32>} : memref<128xf32, #tpu.memory_space<vmem>>, vector<16xf32>,
    %swap3A_95 = vector.shape_cast %swap3A_94 : vector<16xf32> to vector<16xf32>
    %swap3A_96 = vector.shape_cast %broadcast_in_dim3A_73 : vector<16xf32> to vector<16xf32>
    tpu.vector_store %arg7[%swap3A_93], %swap3A_96 {strides = array<i32>} : memref<128xf32, #tpu.memory_space<vmem>>, vector<16xf32>,
    %swap3A_97 = arith.constant 96 : index
    %swap3A_98 = tpu.vector_load %arg7[%swap3A_97] {strides = array<i32>} : memref<128xf32, #tpu.memory_space<vmem>>, vector<16xf32>,
    %swap3A_99 = vector.shape_cast %swap3A_98 : vector<16xf32> to vector<16xf32>
    %swap3A_100 = vector.shape_cast %broadcast_in_dim3A_73 : vector<16xf32> to vector<16xf32>
    tpu.vector_store %arg7[%swap3A_97], %swap3A_100 {strides = array<i32>} : memref<128xf32, #tpu.memory_space<vmem>>, vector<16xf32>,
    %swap3A_101 = arith.constant 112 : index
    %swap3A_102 = tpu.vector_load %arg7[%swap3A_101] {strides = array<i32>} : memref<128xf32, #tpu.memory_space<vmem>>, vector<16xf32>,
    %swap3A_103 = vector.shape_cast %swap3A_102 : vector<16xf32> to vector<16xf32>
    %swap3A_104 = vector.shape_cast %broadcast_in_dim3A_73 : vector<16xf32> to vector<16xf32>
    tpu.vector_store %arg7[%swap3A_101], %swap3A_104 {strides = array<i32>} : memref<128xf32, #tpu.memory_space<vmem>>, vector<16xf32>,
    %dma_start3A_105 = arith.constant 0 : i32
    %dma_start3A_106 = tpu.memref_slice %arg4[%add3A, %dma_start3A_105] : memref<32x128xf32, #tpu.memory_space<hbm>> -> memref<1x128xf32, #tpu.memory_space<hbm>>
    %dma_start3A_107 = tpu.memref_squeeze %dma_start3A_106 : memref<1x128xf32, #tpu.memory_space<hbm>> -> memref<128xf32, #tpu.memory_space<hbm>>
    %dma_start3A_108 = arith.constant 0 : i32
    %dma_start3A_109 = tpu.memref_slice %arg4[%add3A, %dma_start3A_108] : memref<32x128xf32, #tpu.memory_space<hbm>> -> memref<1x128xf32, #tpu.memory_space<hbm>>
    %dma_start3A_110 = tpu.memref_squeeze %dma_start3A_109 : memref<1x128xf32, #tpu.memory_space<hbm>> -> memref<128xf32, #tpu.memory_space<hbm>>
    tpu.enqueue_dma source(%arg7 : memref<128xf32, #tpu.memory_space<vmem>>) target(%dma_start3A_110 : memref<128xf32, #tpu.memory_space<hbm>>) target_semaphore(%arg8 : memref<!tpu.dma_semaphore, #tpu.memory_space<semaphore_mem>>)
    %dma_wait3A = arith.constant 0 : i32
    %dma_wait3A_111 = tpu.memref_slice %arg4[%add3A, %dma_wait3A] : memref<32x128xf32, #tpu.memory_space<hbm>> -> memref<1x128xf32, #tpu.memory_space<hbm>>
    %dma_wait3A_112 = tpu.memref_squeeze %dma_wait3A_111 : memref<1x128xf32, #tpu.memory_space<hbm>> -> memref<128xf32, #tpu.memory_space<hbm>>
    %dma_wait3A_113 = arith.constant 0 : i32
    %dma_wait3A_114 = tpu.memref_slice %arg4[%add3A, %dma_wait3A_113] : memref<32x128xf32, #tpu.memory_space<hbm>> -> memref<1x128xf32, #tpu.memory_space<hbm>>
    %dma_wait3A_115 = tpu.memref_squeeze %dma_wait3A_114 : memref<1x128xf32, #tpu.memory_space<hbm>> -> memref<128xf32, #tpu.memory_space<hbm>>
    tpu.wait_dma2 semaphore(%arg8 : memref<!tpu.dma_semaphore, #tpu.memory_space<semaphore_mem>>) src(%arg7 : memref<128xf32, #tpu.memory_space<vmem>>) dst(%dma_wait3A_115 : memref<128xf32, #tpu.memory_space<hbm>>)
    return
  }
}

module attributes {stable_mosaic.version = 14 : i64} {
  func.func @_tc_body(%arg0: i32, %arg1: i32, %arg2: memref<1x512x2048xf32, #tpu.memory_space<vmem>>, %arg3: memref<1x512x2048xf32, #tpu.memory_space<vmem>>, %arg4: memref<1x1x128xf32, #tpu.memory_space<vmem>>) attributes {dimension_semantics = [#tpu.dimension_semantics<arbitrary>, #tpu.dimension_semantics<arbitrary>], iteration_bounds = array<i64: 4, 9>, scalar_prefetch = 0 : i64, scratch_operands = 0 : i64, tpu.core_type = #tpu.core_type<tc>, window_params = [{transform_indices = @transform_0, window_bounds = array<i64: 1, 512, 2048>}, {transform_indices = @transform_1, window_bounds = array<i64: 1, 512, 2048>}, {transform_indices = @transform_2, window_bounds = array<i64: 1, 1, 128>}]} {
    %eq3A = arith.constant 0 : i32
    %eq3A_0 = arith.cmpi eq, %arg1, %eq3A : i32
    %convert_element_type3A = arith.extui %eq3A_0 : i1 to i32
    %cond3A = arith.constant 0 : i32
    %cond3A_1 = arith.cmpi ne, %convert_element_type3A, %cond3A : i32
    scf.if %cond3A_1 {
      %broadcast_in_dim3A_26 = arith.constant 0.000000e+00 : f32
      %broadcast_in_dim3A_27 = vector.broadcast %broadcast_in_dim3A_26 : f32 to vector<1x1x128xf32>
      %swap3A_28 = arith.constant 0 : index
      %swap3A_29 = arith.constant 0 : index
      %swap3A_30 = arith.constant 0 : index
      %swap3A_31 = vector.load %arg4[%swap3A_28, %swap3A_29, %swap3A_30] : memref<1x1x128xf32, #tpu.memory_space<vmem>>, vector<1x1x128xf32>
      tpu.vector_store %arg4[%swap3A_28, %swap3A_29, %swap3A_30], %broadcast_in_dim3A_27 {strides = array<i32>} : memref<1x1x128xf32, #tpu.memory_space<vmem>>, vector<1x1x128xf32>,
    } else {
    }
    %get3A = arith.constant 0 : index
    %get3A_2 = arith.constant 0 : index
    %get3A_3 = arith.constant 0 : index
    %get3A_4 = vector.load %arg2[%get3A, %get3A_2, %get3A_3] : memref<1x512x2048xf32, #tpu.memory_space<vmem>>, vector<1x512x2048xf32>
    %get3A_5 = vector.shape_cast %get3A_4 : vector<1x512x2048xf32> to vector<512x2048xf32>
    %get3A_6 = arith.constant 0 : index
    %get3A_7 = arith.constant 0 : index
    %get3A_8 = arith.constant 0 : index
    %get3A_9 = vector.load %arg3[%get3A_6, %get3A_7, %get3A_8] : memref<1x512x2048xf32, #tpu.memory_space<vmem>>, vector<1x512x2048xf32>
    %get3A_10 = vector.shape_cast %get3A_9 : vector<1x512x2048xf32> to vector<512x2048xf32>
    %ne3A = arith.constant 0.000000e+00 : f32
    %ne3A_11 = vector.broadcast %ne3A : f32 to vector<512x2048xf32>
    %ne3A_12 = arith.cmpf one, %get3A_10, %ne3A_11 : vector<512x2048xf32>
    %sub3A = arith.subf %get3A_5, %get3A_10 : vector<512x2048xf32>
    %jit3A = arith.constant 0.000000e+00 : f32
    %broadcast_in_dim3A = vector.broadcast %jit3A : f32 to vector<512x2048xf32>
    %select_n3A = arith.select %ne3A_12, %sub3A, %broadcast_in_dim3A : vector<512x2048xi1>, vector<512x2048xf32>
    %mul3A = arith.mulf %select_n3A, %select_n3A : vector<512x2048xf32>
    %reduce_sum3A = arith.constant dense<0.000000e+00> : vector<2048xf32>
    %reduce_sum3A_13 = vector.multi_reduction <add>, %mul3A, %reduce_sum3A [0] : vector<512x2048xf32> to vector<2048xf32>
    %reshape3A = vector.shape_cast %reduce_sum3A_13 : vector<2048xf32> to vector<16x128xf32>
    %reduce_sum3A_14 = arith.constant dense<0.000000e+00> : vector<128xf32>
    %reduce_sum3A_15 = vector.multi_reduction <add>, %reshape3A, %reduce_sum3A_14 [0] : vector<16x128xf32> to vector<128xf32>
    %get3A_16 = arith.constant 0 : index
    %get3A_17 = arith.constant 0 : index
    %get3A_18 = arith.constant 0 : index
    %get3A_19 = vector.load %arg4[%get3A_16, %get3A_17, %get3A_18] : memref<1x1x128xf32, #tpu.memory_space<vmem>>, vector<1x1x128xf32>
    %get3A_20 = vector.shape_cast %get3A_19 : vector<1x1x128xf32> to vector<128xf32>
    %add3A = arith.addf %get3A_20, %reduce_sum3A_15 : vector<128xf32>
    %swap3A = arith.constant 0 : index
    %swap3A_21 = arith.constant 0 : index
    %swap3A_22 = arith.constant 0 : index
    %swap3A_23 = vector.load %arg4[%swap3A, %swap3A_21, %swap3A_22] : memref<1x1x128xf32, #tpu.memory_space<vmem>>, vector<1x1x128xf32>
    %swap3A_24 = vector.shape_cast %swap3A_23 : vector<1x1x128xf32> to vector<128xf32>
    %swap3A_25 = vector.shape_cast %add3A : vector<128xf32> to vector<1x1x128xf32>
    tpu.vector_store %arg4[%swap3A, %swap3A_21, %swap3A_22], %swap3A_25 {strides = array<i32>} : memref<1x1x128xf32, #tpu.memory_space<vmem>>, vector<1x1x128xf32>,
    return
  }
  func.func @transform_0(%arg0: i32, %arg1: i32) -> (i32, i32, i32) {
    %add3A = arith.constant 0 : i32
    %add3A_0 = arith.addi %arg1, %add3A : i32
    %c0_i32 = arith.constant 0 : i32
    %c0_i32_1 = arith.constant 0 : i32
    return %arg0, %add3A_0, %c0_i32 : i32, i32, i32
  }
  func.func @transform_1(%arg0: i32, %arg1: i32) -> (i32, i32, i32) {
    %add3A = arith.constant 0 : i32
    %add3A_0 = arith.addi %arg1, %add3A : i32
    %c0_i32 = arith.constant 0 : i32
    %c0_i32_1 = arith.constant 0 : i32
    return %arg0, %add3A_0, %c0_i32 : i32, i32, i32
  }
  func.func @transform_2(%arg0: i32, %arg1: i32) -> (i32, i32, i32) {
    %c0_i32 = arith.constant 0 : i32
    %c0_i32_0 = arith.constant 0 : i32
    %c0_i32_1 = arith.constant 0 : i32
    return %arg0, %c0_i32, %c0_i32_0 : i32, i32, i32
  }
}

</mosaic_0001>

<sc_bundles>
// kernel: kernel.4.cloned.1.call-start
scs
__scs_entry_jumppad:
0x0: {  	(pc) =	sbr.rel $0x88, $3  }
0x1: {  	(tag) =	ssettag $0x0;
	lr =	simm.s32 $0x1  }
0x2: {  	[smem:$0x3F9F] =	sst lr;
	_ =	strace $0xD0000000  }
0x3: {  	_ = 	snop  }
0x4: {  	_ = 	snop  }
0x5: {  	_ = 	snop  }
0x6: {  	_ = 	snop  }
0x7: {  	_ = 	snop  }
__scs_overlays_trampoline_lowered:
0x8: {  	[smem:$0x3FAE] =	sst s0  }
0x9: {  	[smem:$0x3FAF] =	sst s1  }
0xa: {  	[smem:$0x3FB0] =	sst s2  }
0xb: {  	[smem:$0x3FB1] =	sst s3  }
0xc: {  	[smem:$0x3FB2] =	sst s4  }
0xd: {  	[smem:$0x3FB3] =	sst s5  }
0xe: {  	[smem:$0x3FB4] =	sst s6  }
0xf: {  	[smem:$0x3FB5] =	sst s7  }
0x10: {  	[smem:$0x3FB6] =	sst s8  }
0x11: {  	[smem:$0x3FB7] =	sst s9;
	s0 =	simm.s32 @!p0 $0x0  }
0x12: {  	s1 =	sld [smem:$0x3F9D];
	s0 =	simm.s32 @p0 $0x1  }
0x13: {  	[smem:$0x3FB8] =	sst s0;
	s0 =	simm.s32 @!p1 $0x0  }
0x14: {  	s2 =	sld [smem:$0x3F9C];
	s0 =	simm.s32 @p1 $0x1  }
0x15: {  	[smem:$0x3FB9] =	sst s0;
	s0 =	simm.s32 @!p2 $0x0  }
0x16: {  	s3 =	sld [smem:$0x3FDB];
	s0 =	simm.s32 @p2 $0x1  }
0x17: {  	s4 =	simm.s32 $0x1BF5;
	[smem:$0x3FBB] =	sst s0  }
0x18: {  	s0 =	sld [smem:$0x3F9E];
	_ =	swait.ge [sflag:s4], $0x0  }
0x19: {  	s7 =	sld [smem:$0x3F9F]  }
0x1a: {  	s8 =	sadd.s32 $0xFFFFE003, lr  }
0x1b: {  	s9 =	sadd.s32 $0xFFFFFEF7, lr;
	s5 =	simm.s32 $0xFFFFFFFF;
	p2 =	slt.u32 s8, $0xFFFFF086  }
0x1c: {  	p1 =	slt.u32 s9, $0xF7A;
	s5 =	simm.s32 @!p2 $0x0  }
0x1d: {  	s5 =	simm.s32 @p1 $0x1;
	p0 =	seq.s32 s7, s2  }
0x1e: {  	s7 =	smul.u32 @!p0 $0xF7A, s2;
	p2 =	seq.s32 @!p0 s5, $0x0  }
0x1f: {  	s9 =	smul.u32 $0xF7A, s1;
	s8 =	simm.s32 @!p0 $0x1BF5;
	p2 =	por !p2, p0  }
0x20: {  	[sflag:s8] =	ssyncset.s32 @!p0 $0xFFFFF086;
	s6 =	sadd.s32 @!p0 s3, s7;
	s7 =	simm.s32 @!p0 $0x108  }
0x21: {  	s3 =	sadd.s32 s3, s9;
	s6 =	sadd.s32 @!p0 $0x88, s6;
	s7 =	simm.s32 @p2 $0x1082  }
0x22: {  	[simem:s7], [sflag:s8] =	dma.local @!p0 [hbm:s6], $0xF7A  }
0x23: {  	s9 =	sor.u32 $0xD0000000, s2;
	s6 =	simm.s32 $0x108;
	_ =	swait.ge @!p0 [sflag:s8], $0x0  }
0x24: {  	s3 =	sadd.s32 $0x88, s3;
	s6 =	simm.s32 @!p1 $0x1082;
	[sflag:s4] =	ssyncset.s32 $0xFFFFF086  }
0x25: {  	[simem:s6], [sflag:s4] =	dma.local [hbm:s3], $0xF7A  }
0x26: {  	[smem:$0x3F9F] =	sst s1;
	(tag) =	ssettag s2;
	_ =	strace s9  }
0x27: {  	s1 =	sld [smem:$0x3FAF]  }
0x28: {  	s2 =	sld [smem:$0x3FB0]  }
0x29: {  	s4 =	sld [smem:$0x3FB2]  }
0x2a: {  	p0 =	seq.s32 s5, $0x0;
	s5 =	sld [smem:$0x3FB3]  }
0x2b: {  	s6 =	sld [smem:$0x3FB4]  }
0x2c: {  	s7 =	sld [smem:$0x3FB5]  }
0x2d: {  	s3 =	simm.s32 $0x108;
	s8 =	sld [smem:$0x3FB6]  }
0x2e: {  	s3 =	simm.s32 @!p0 $0x1082;
	s9 =	sld [smem:$0x3FB7]  }
0x2f: {  	lr =	sadd.s32 s0, s3;
	s0 =	sld [smem:$0x3FAE]  }
0x30: {  	s3 =	sld [smem:$0x3FB1]  }
0x31: {  	[smem:$0x3FBA] =	sst s10  }
0x32: {  	s10 =	sld [smem:$0x3FB8];
	_ =	sdelay $0x3  }
0x33: {  	p0 =	seq.s32 s10, $0x1;
	s10 =	sld [smem:$0x3FBA];
	_ =	sdelay $0x3  }
0x34: {  	[smem:$0x3FBA] =	sst s10  }
0x35: {  	s10 =	sld [smem:$0x3FB9];
	_ =	sdelay $0x3  }
0x36: {  	p1 =	seq.s32 s10, $0x1;
	s10 =	sld [smem:$0x3FBA];
	_ =	sdelay $0x3  }
0x37: {  	[smem:$0x3FBA] =	sst s10  }
0x38: {  	s10 =	sld [smem:$0x3FBB]  }
0x39: {  	_ = 	snop;
	(pc) =	sbr.ind lr, $3  }
0x3a: {  	_ = 	snop  }
0x3b: {  	_ = 	snop  }
0x3c: {  	p2 =	seq.s32 s10, $0x1;
	s10 =	sld [smem:$0x3FBA]  }
0x3d: {  	_ =	shalt  }
0x3e: {  	_ =	shalt  }
0x3f: {  	_ =	shalt  }
0x40: {  	_ =	shalt  }
0x41: {  	_ =	shalt  }
0x42: {  	_ =	shalt  }
0x43: {  	_ =	shalt  }
0x44: {  	_ =	shalt  }
0x45: {  	_ =	shalt  }
0x46: {  	_ =	shalt  }
0x47: {  	_ =	shalt  }
0x48: {  	_ =	shalt  }
0x49: {  	_ =	shalt  }
0x4a: {  	_ =	shalt  }
0x4b: {  	_ =	shalt  }
0x4c: {  	_ =	shalt  }
0x4d: {  	_ =	shalt  }
0x4e: {  	_ =	shalt  }
0x4f: {  	_ =	shalt  }
0x50: {  	_ =	shalt  }
0x51: {  	_ =	shalt  }
0x52: {  	_ =	shalt  }
0x53: {  	_ =	shalt  }
0x54: {  	_ =	shalt  }
0x55: {  	_ =	shalt  }
0x56: {  	_ =	shalt  }
0x57: {  	_ =	shalt  }
0x58: {  	_ =	shalt  }
0x59: {  	_ =	shalt  }
0x5a: {  	_ =	shalt  }
0x5b: {  	_ =	shalt  }
0x5c: {  	_ =	shalt  }
0x5d: {  	_ =	shalt  }
0x5e: {  	_ =	shalt  }
0x5f: {  	_ =	shalt  }
0x60: {  	_ =	shalt  }
0x61: {  	_ =	shalt  }
0x62: {  	_ =	shalt  }
0x63: {  	_ =	shalt  }
0x64: {  	_ =	shalt  }
0x65: {  	_ =	shalt  }
0x66: {  	_ =	shalt  }
0x67: {  	_ =	shalt  }
0x68: {  	_ =	shalt  }
0x69: {  	_ =	shalt  }
0x6a: {  	_ =	shalt  }
0x6b: {  	_ =	shalt  }
0x6c: {  	_ =	shalt  }
0x6d: {  	_ =	shalt  }
0x6e: {  	_ =	shalt  }
0x6f: {  	_ =	shalt  }
0x70: {  	_ =	shalt  }
0x71: {  	_ =	shalt  }
0x72: {  	_ =	shalt  }
0x73: {  	_ =	shalt  }
0x74: {  	_ =	shalt  }
0x75: {  	_ =	shalt  }
0x76: {  	_ =	shalt  }
0x77: {  	_ =	shalt  }
0x78: {  	_ =	shalt  }
0x79: {  	_ =	shalt  }
0x7a: {  	_ =	shalt  }
0x7b: {  	_ =	shalt  }
0x7c: {  	_ =	shalt  }
0x7d: {  	_ =	shalt  }
0x7e: {  	_ =	shalt  }
0x7f: {  	_ =	shalt  }
0x80: {  	_ =	shalt  }
0x81: {  	_ =	shalt  }
0x82: {  	_ =	shalt  }
0x83: {  	_ =	shalt  }
0x84: {  	_ =	shalt  }
0x85: {  	_ =	shalt  }
0x86: {  	_ =	shalt  }
0x87: {  	_ =	shalt  }
.Lfunc_end0:
.L_simem_size_0:
called_computation_lowered:
.L_overlay_start_0:
0x88: {  	s2 =	sld [smem:$0x3FD9]  }
0x89: {  	s3 =	sld [smem:$0x3FFE];
	_ =	sdelay $0x1  }
0x8a: {  	s1 =	srdreg.scid  }
0x8b: {  	s0 =	sand.u32 $0x1, s1  }
0x8c: {  	s17 =	sshll.u32 s0, $0xA;
	s2 =	sadd.s32 s3, s2  }
0x8d: {  	s2 =	sadd.s32 s2, s17  }
0x8e: {  	[smem:$0x3FC6] =	sst s2  }
0x8f: {  	_ = 	snop  }
0x90: {  	s2 =	sld [smem:$0x3FC9]  }
0x91: {  	s18 =	sld [smem:$0x3FC8];
	(tm) =	ssettm $0x1  }
0x92: {  	s4 =	sld [smem:$0x3FFB];
	_ =	sdelay $0x3  }
0x93: {  	_ =	strace s4  }
0x94: {  	s4 =	sld [smem:$0x3FFC];
	_ =	sdelay $0x3  }
0x95: {  	_ =	strace s4  }
0x96: {  	s4 =	sld [smem:$0x3FFD];
	_ =	sdelay $0x3  }
0x97: {  	_ =	strace s4  }
0x98: {  	_ =	strace $0x8FFFFFFF  }
0x99: {  	s19 =	sld [smem:$0x3FDB];
	_ =	sdelay $0x1  }
0x9a: {  	s5 =	simm.s32 $_scs_section_size  }
0x9b: {  	s6 =	simm.s32 $_size__tile_overlayer_lowered;
	s7 =	simm.s32 $_tile_overlayer_lowered  }
0x9c: {  	s22 =	simm.s32 $0x1BFF;
	s21 =	sshll.u32 s7, $0x1;
	s4 =	sadd.s32 s5, s19  }
0x9d: {  	s8 =	simm.s32 $0x0;
	s20 =	sshll.u32 s6, $0x1;
	s6 =	sadd.s32 s21, s4  }
0x9e: {  	[timem:s8], [sflag:s22] =	dma.local [hbm:s6], s20  }
0x9f: {  	_ =	swait.ge [sflag:s22], s20  }
0xa0: {  	s5 =	ssub.s32 $0x0, s20;
	[sflag:s22] =	ssyncset.done $0x0  }
0xa1: {  	[sflag:s22] =	ssyncadd.s32 s5;
	_ =	sdelay $0x1  }
0xa2: {  	s23 =	simm.s32 $0x1B8B  }
0xa3: {  	_ =	swait.ge [sflag:s23], $0x1  }
0xa4: {  	[sflag:s23] =	ssyncset.done $0x0  }
0xa5: {  	s25 =	simm.s32 $0x1B8E;
	s24 =	sld [smem:$0x3FFE];
	[sflag:s23] =	ssyncadd.s32 $0xFFFFFFFF  }
0xa6: {  	s26 =	simm.s32 $execute0_lowered;
	[smem:$0x3FD2] =	sst s25  }
0xa7: {  	s6 =	sshll.u32 s26, $0x1;
	_ =	strace $0x80000046;
	[dreg:$0x1] =	wrdreg $0xFFFFFFFF  }
0xa8: {  	s28 =	simm.s32 $_size_execute0_lowered;
	s4 =	sadd.s32 s4, s6;
	[dreg:$0x0] =	wrdreg $0x0  }
0xa9: {  	s6 =	sshll.u32 s28, $0x1;
	[dreg:$0x2] =	wrdreg s4  }
0xaa: {  	[dreg:$0x3] =	wrdreg s6  }
0xab: {  	[dreg:$0x4] =	wrdreg $0xC0  }
0xac: {  	_ =	task [dreg:s8], $0x5FFFF  }
0xad: {  	[dreg:$0x1] =	wrdreg $0xFFFFFFFF  }
0xae: {  	[dreg:$0x0] =	wrdreg $0x60  }
0xaf: {  	[dreg:$0x2] =	wrdreg s2  }
0xb0: {  	[dreg:$0x3] =	wrdreg s18  }
0xb1: {  	[dreg:$0x4] =	wrdreg s24  }
0xb2: {  	[dreg:$0x5] =	wrdreg $0x9  }
0xb3: {  	_ =	task.clear_ibuf [dreg:s8], $0x6FFFF;
	_ =	strace $0x90000046  }
0xb4: {  	s29 =	simm.s32 $0x9;
	_ =	strace $0x80000048  }
0xb5: {  	_ =	swait.ge [sflag:s29], $0x1  }
0xb6: {  	[sflag:s29] =	ssyncadd.s32 $0xFFFFFFFF  }
0xb7: {  	_ =	strace $0x90000048  }
0xb8: {  	_ =	sfence  }
0xb9: {  	s30 =	sld [smem:$0x0];
	_ =	sdelay $0x2  }
0xba: {  	s31 =	sshll.u32 s1, $0xD;
	s1 =	sshrl.u32 s1, $0x2  }
0xbb: {  	s3 =	sand.u32 $0x4000, s31;
	s1 =	sadd.s32 s1, s30  }
0xbc: {  	s0 =	sor.u32 s3, s0;
	s1 =	sshll.u32 s1, $0x11  }
0xbd: {  	s0 =	sor.u32 s1, s0  }
0xbe: {  	s0 =	sadd.s32 $0x8F2B, s0  }
0xbf: {  	[sflag:s0] =	ssyncadd.remote.s32 $0x1  }
0xc0: {  	_ =	sfence.sel $0xFFFF  }
0xc1: {  	[dreg:$0x0] =	wrdreg $0xFFFFFFFF;
	(pc) =	sbr.abs _section_cstart, $3  }
0xc2: {  	[dreg:$0x1] =	wrdreg $0xFFFFFFFF  }
0xc3: {  	_ =	task.clear_ibuf [dreg:s8], $0x2FFFF;
	_ =	strace $0x9FFFFFFF  }
0xc4: {  	(tm) =	ssettm $0x7FFFFFFF  }
0xc5: {  	_ =	shalt  }
tec
execute0_lowered:
.L_overlay_start_1:
0x0: {  	(tag) =	ssettag $0x1  }
0x1: {  	s1 =	srdreg.scid  }
0x2: {  	s0 =	stileid.u32;
	s3 =	rddreg [dreg:$0x1]  }
0x3: {  	s10 =	rddreg [dreg:$0x2];
	s5 =	simm.s32 $0x0;
	s14 =	simm.s32 $0xC000  }
0x4: {  	s15 =	simm.s32 $0x1;
	s16 =	simm.s32 $0x3;
	s17 =	simm.s32 $0x2  }
0x5: {  	s18 =	simm.s32 $0x4;
	s19 =	simm.s32 $0x10000;
	s20 =	simm.s32 $0x0  }
0x6: {  	s6 =	sand.u32 $0x1, s1;
	s30 =	sshll.u32 s0, $0x1;
	s1 =	rddreg [dreg:$0x0]  }
0x7: {  	s2 =	sshll.u32 s0, $0x16;
	[smem:$0x7FF] =	sst s5;
	s9 =	sor.u32 s6, s30  }
0x8: {  	s4 =	sand.u32 $0x3000000, s2;
	s2 =	rddreg [dreg:$0x3];
	s7 =	sand.u32 $0x7, s9  }
0x9: {  	s6 =	ssub.s32 $0x2, s6;
	_ =	strace $0x80000047;
	s8 =	smul.u32 $0xE0000, s7  }
0xa: {  	s11 =	sshrl.u32 s6, $0x1;
	s13 =	sshll.u32 s9, $0x4;
	s12 =	smul.u32 $0x1C0, s7  }
0xb: {  	s11 =	ssub.s32 s6, s11;
	s10 =	sadd.s32 s10, s13;
	s8 =	sor.u32 s4, s8  }
0xc: {  	s13 =	simm.s32 $0x4000;
	s11 =	smax.u32 s11, $0x1;
	s8 =	sshrl.u32 s8, $0x3  }
0xd: {  	s9 =	sadd.s32 $0x1210, s12;
	s31 =	sadd.s32 $0x120000, s8;
	s8 =	sadd.s32 $0x1208, s12  }
0xe: {  	v0 =	vimm.f32 $0.0e+00;
	s12 =	simm.s32 $0x8000;
	s6 =	sadd.s32 s1, s31;
	s7 =	sadd.s32 s3, s31  }
.LBB2_1:
0xf: {  	[tilespmem:s5], [sflag:$0x1] =	stream.linear.gather [hbm4b:s6+s5], $0x4000, $0x38;
	[tilespmem:$0x10080] =	vst v63  }
0x10: {  	s21 =	simm.s32 $0x0  }
0x11: {  	v1 =	vimm.f32 $0.0e+00;
	[tilespmem:s12], [sflag:$0x3] =	stream.linear.gather [hbm4b:s7+s5], $0x4000, $0x38;
	[tilespmem:$0x10080] =	vst v63  }
.LBB2_3:
0x12: {  	s22 =	sshll.u32 s21, $0x4  }
0x13: {  	s23 =	sadd.s32 s22, s8  }
0x14: {  	s23 =	sshll.u32 s23, $0xB  }
0x15: {  	s23 =	sadd.s32 s4, s23  }
0x16: {  	s23 =	sshrl.u32 s23, $0x3  }
0x17: {  	s25 =	simm.s32 $0x0;
	s24 =	sadd.s32 s1, s23  }
0x18: {  	[tilespmem:s13], [sflag:$0x2] =	stream.linear.gather [hbm4b:s24+s25], $0x4000, $0x38;
	[tilespmem:$0x10080] =	vst v63  }
0x19: {  	s23 =	sadd.s32 s3, s23  }
0x1a: {  	[tilespmem:s14], [sflag:$0x4] =	stream.linear.gather [hbm4b:s23+s25], $0x4000, $0x38;
	[tilespmem:$0x10080] =	vst v63  }
0x1b: {  	_ =	swait.ge [sflag:s15], $0x4000  }
0x1c: {  	[sflag:s15] =	ssyncset.done $0x0  }
0x1d: {  	[sflag:s15] =	ssyncadd.s32 $0xFFFFC000  }
0x1e: {  	_ =	swait.ge [sflag:s16], $0x4000  }
0x1f: {  	s28 =	sand.u32 $0x3C00, s25;
	s29 =	sand.u32 $0x380, s25;
	[sflag:s16] =	ssyncset.done $0x0  }
0x20: {  	s26 =	sor.u32 s29, s28;
	[sflag:s16] =	ssyncadd.s32 $0xFFFFC000  }
0x21: {  	v2 =	vld [tilespmem:s26+$0x8000]  }
0x22: {  	v5 =	vld [tilespmem:s26+$0x8010]  }
0x23: {  	v3 =	vld [tilespmem:s26+$0x0]  }
0x24: {  	v6 =	vld [tilespmem:s26+$0x8020]  }
0x25: {  	v7 =	vld [tilespmem:s26+$0x10]  }
0x26: {  	v10 =	vld [tilespmem:s26+$0x8030]  }
0x27: {  	v8 =	vld [tilespmem:s26+$0x20];
	vm0 =	veq.f32 v2, $0.0e+00  }
0x28: {  	v4 =	vld [tilespmem:s26+$0x8040];
	v3 =	vsel vm0, v2, v3  }
0x29: {  	v9 =	vld [tilespmem:s26+$0x30];
	vm0 =	veq.f32 v5, $0.0e+00;
	v2 =	vsub.f32 v3, v2  }
0x2a: {  	v12 =	vld [tilespmem:s26+$0x40];
	v7 =	vsel vm0, v5, v7  }
0x2b: {  	v3 =	vld [tilespmem:s26+$0x8050];
	vm0 =	veq.f32 v6, $0.0e+00;
	v5 =	vsub.f32 v7, v5;
	v11 =	vmul.f32 v2, v2  }
0x2c: {  	v7 =	vsel vm0, v6, v8;
	vm0 =	veq.f32 v10, $0.0e+00;
	v2 =	vld [tilespmem:s26+$0x8060]  }
0x2d: {  	v7 =	vsub.f32 v7, v6;
	v6 =	vld [tilespmem:s26+$0x50];
	v5 =	vmul.f32 v5, v5;
	v8 =	vadd.f32 v11, v1  }
0x2e: {  	s30 =	simm.s32 $0x8;
	s24 =	simm.s32 $0x400;
	v11 =	vsel vm0, v10, v9;
	v1 =	vld [tilespmem:s26+$0x8070];
	vm0 =	veq.f32 v4, $0.0e+00  }
0x2f: {  	s31 =	sand.u32 $0x3C00, s24;
	s23 =	sand.u32 $0x380, s30;
	v9 =	vmul.f32 v7, v7;
	v7 =	vld [tilespmem:s26+$0x60];
	v10 =	vsub.f32 v11, v10;
	v8 =	vadd.f32 v5, v8  }
0x30: {  	s25 =	simm.s32 $0x10;
	s23 =	sor.u32 s23, s31;
	v11 =	vsel vm0, v4, v12;
	vm0 =	veq.f32 v3, $0.0e+00;
	v5 =	vld [tilespmem:s26+$0x70]  }
.LBB2_4:
0x31: {  	p0 =	sne.s32 s25, $0x3F8;
	v12 =	vld [tilespmem:s23+$0x8000];
	v8 =	vadd.f32 v9, v8;
	v9 =	vmul.f32 v10, v10;
	v4 =	vsub.f32 v11, v4  }
0x32: {  	v10 =	vld [tilespmem:s23+$0x8010];
	v6 =	vsel vm0, v3, v6;
	vm0 =	veq.f32 v2, $0.0e+00  }
0x33: {  	v11 =	vld [tilespmem:s23+$0x0];
	v8 =	vadd.f32 v9, v8;
	v4 =	vmul.f32 v4, v4;
	v3 =	vsub.f32 v6, v3  }
0x34: {  	v6 =	vld [tilespmem:s23+$0x8020];
	v7 =	vsel vm0, v2, v7;
	vm0 =	veq.f32 v1, $0.0e+00  }
0x35: {  	v9 =	vld [tilespmem:s23+$0x10];
	v4 =	vadd.f32 v4, v8;
	v3 =	vmul.f32 v3, v3;
	v2 =	vsub.f32 v7, v2  }
0x36: {  	v5 =	vsel vm0, v1, v5;
	vm1 =	veq.f32 v12, $0.0e+00;
	v7 =	vld [tilespmem:s23+$0x8030]  }
0x37: {  	v1 =	vsub.f32 v5, v1;
	v8 =	vld [tilespmem:s23+$0x20];
	v3 =	vadd.f32 v3, v4;
	v2 =	vmul.f32 v2, v2  }
0x38: {  	vm0 =	veq.f32 v10, $0.0e+00;
	v5 =	vsel vm1, v12, v11;
	v4 =	vld [tilespmem:s23+$0x8040]  }
0x39: {  	v1 =	vmul.f32 v1, v1;
	v5 =	vsub.f32 v5, v12;
	v11 =	vld [tilespmem:s23+$0x30];
	v2 =	vadd.f32 v2, v3  }
0x3a: {  	v9 =	vsel vm0, v10, v9;
	vm0 =	veq.f32 v6, $0.0e+00;
	v3 =	vld [tilespmem:s23+$0x8050]  }
0x3b: {  	v5 =	vmul.f32 v5, v5;
	v9 =	vsub.f32 v9, v10;
	v12 =	vld [tilespmem:s23+$0x40];
	v1 =	vadd.f32 v1, v2  }
.Ltmp0:
0x3c: {  	v8 =	vsel vm0, v6, v8;
	vm0 =	veq.f32 v7, $0.0e+00;
	v2 =	vld [tilespmem:s23+$0x8060];
	(pc) =	sbr.rel @p0 .LBB2_4-.Ltmp0, $4  }
0x3d: {  	v5 =	vadd.f32 v5, v1;
	v9 =	vmul.f32 v9, v9;
	v10 =	vsub.f32 v8, v6;
	v6 =	vld [tilespmem:s23+$0x50]  }
0x3e: {  	s24 =	sadd.s32 $0x400, s24;
	v11 =	vsel vm0, v7, v11;
	vm0 =	veq.f32 v4, $0.0e+00;
	v1 =	vld [tilespmem:s23+$0x8070]  }
0x3f: {  	s28 =	sand.u32 $0x380, s25;
	s26 =	sand.u32 $0x3C00, s24;
	v8 =	vadd.f32 v9, v5;
	v9 =	vmul.f32 v10, v10;
	v10 =	vsub.f32 v11, v7;
	v7 =	vld [tilespmem:s23+$0x60]  }
0x40: {  	s25 =	sadd.s32 $0x8, s25;
	v11 =	vsel vm0, v4, v12;
	vm0 =	veq.f32 v3, $0.0e+00;
	v5 =	vld [tilespmem:s23+$0x70];
	s23 =	sor.u32 s28, s26  }
0x41: {  	v12 =	vld [tilespmem:s23+$0x8000]  }
0x42: {  	v13 =	vld [tilespmem:s23+$0x8010]  }
0x43: {  	v14 =	vld [tilespmem:s23+$0x0]  }
0x44: {  	v15 =	vld [tilespmem:s23+$0x8020]  }
0x45: {  	v16 =	vld [tilespmem:s23+$0x10]  }
0x46: {  	v17 =	vld [tilespmem:s23+$0x8030]  }
0x47: {  	v8 =	vadd.f32 v9, v8;
	v9 =	vmul.f32 v10, v10;
	v10 =	vld [tilespmem:s23+$0x20]  }
0x48: {  	v4 =	vsub.f32 v11, v4;
	v11 =	vld [tilespmem:s23+$0x8040]  }
0x49: {  	v61 =	vld [tilespmem:s23+$0x8070];
	v6 =	vsel vm0, v3, v6;
	vm0 =	veq.f32 v2, $0.0e+00  }
0x4a: {  	v62 =	vld [tilespmem:s23+$0x60];
	v8 =	vadd.f32 v9, v8;
	v4 =	vmul.f32 v4, v4;
	v3 =	vsub.f32 v6, v3  }
0x4b: {  	p0 =	seq.s32 s21, $0x1B;
	v6 =	vld [tilespmem:s23+$0x30];
	v7 =	vsel vm0, v2, v7;
	vm0 =	veq.f32 v1, $0.0e+00  }
0x4c: {  	s22 =	sadd.s32 @!p0 s22, s9;
	v9 =	vld [tilespmem:s23+$0x8050];
	v4 =	vadd.f32 v4, v8;
	v3 =	vmul.f32 v3, v3;
	v2 =	vsub.f32 v7, v2  }
0x4d: {  	s22 =	sshll.u32 @!p0 s22, $0xB;
	v8 =	vld [tilespmem:s23+$0x40];
	v5 =	vsel vm0, v1, v5;
	vm0 =	veq.f32 v12, $0.0e+00  }
0x4e: {  	s22 =	sadd.s32 @!p0 s4, s22;
	v7 =	vld [tilespmem:s23+$0x8060];
	v1 =	vsub.f32 v5, v1;
	v3 =	vadd.f32 v3, v4;
	v2 =	vmul.f32 v2, v2  }
0x4f: {  	s22 =	sshrl.u32 @!p0 s22, $0x3;
	v4 =	vld [tilespmem:s23+$0x50];
	v5 =	vsel vm0, v12, v14;
	vm0 =	veq.f32 v13, $0.0e+00  }
0x50: {  	s24 =	simm.s32 @!p0 $0x0;
	v5 =	vsub.f32 v5, v12;
	v1 =	vmul.f32 v1, v1;
	v2 =	vadd.f32 v2, v3;
	v3 =	vld [tilespmem:s23+$0x70];
	s23 =	sadd.s32 @!p0 s1, s22  }
0x51: {  	v16 =	vsel vm0, v13, v16;
	[tilespmem:s24], [sflag:$0x1] =	stream.linear.gather @!p0 [hbm4b:s23+s24], $0x4000, $0x38;
	[tilespmem:$0x10080] =	vst v63  }
0x52: {  	v13 =	vsub.f32 v16, v13;
	s22 =	sadd.s32 @!p0 s3, s22;
	s23 =	simm.s32 @!p0 $0x8000;
	v1 =	vadd.f32 v1, v2;
	v2 =	vmul.f32 v5, v5  }
0x53: {  	vm0 =	veq.f32 v15, $0.0e+00;
	[tilespmem:s23], [sflag:$0x3] =	stream.linear.gather @!p0 [hbm4b:s22+s24], $0x4000, $0x38;
	[tilespmem:$0x10080] =	vst v63  }
0x54: {  	v5 =	vmul.f32 v13, v13;
	v1 =	vadd.f32 v2, v1;
	v2 =	vsel vm0, v15, v10;
	_ =	swait.ge [sflag:s17], $0x4000  }
0x55: {  	vm0 =	veq.f32 v17, $0.0e+00;
	v2 =	vsub.f32 v2, v15;
	[sflag:s17] =	ssyncset.done $0x0  }
0x56: {  	v1 =	vadd.f32 v5, v1;
	v5 =	vsel vm0, v17, v6;
	[sflag:s17] =	ssyncadd.s32 $0xFFFFC000  }
0x57: {  	s28 =	simm.s32 $0x0;
	vm0 =	veq.f32 v11, $0.0e+00;
	v2 =	vmul.f32 v2, v2;
	v5 =	vsub.f32 v5, v17;
	_ =	swait.ge [sflag:s18], $0x4000  }
0x58: {  	s29 =	sand.u32 $0x3C00, s28;
	s22 =	sand.u32 $0x380, s28;
	v6 =	vsel vm0, v11, v8;
	vm0 =	veq.f32 v9, $0.0e+00;
	[sflag:s18] =	ssyncset.done $0x0  }
0x59: {  	s25 =	sor.u32 s22, s29;
	v1 =	vadd.f32 v2, v1;
	v2 =	vmul.f32 v5, v5;
	v5 =	vsub.f32 v6, v11;
	[sflag:s18] =	ssyncadd.s32 $0xFFFFC000  }
0x5a: {  	v4 =	vsel vm0, v9, v4;
	vm0 =	veq.f32 v7, $0.0e+00;
	v6 =	vld [tilespmem:s25+$0xC000]  }
0x5b: {  	v4 =	vsub.f32 v4, v9;
	v9 =	vld [tilespmem:s25+$0x4000];
	v1 =	vadd.f32 v2, v1;
	v2 =	vmul.f32 v5, v5  }
0x5c: {  	v8 =	vsel vm0, v7, v62;
	vm0 =	veq.f32 v61, $0.0e+00;
	v10 =	vld [tilespmem:s25+$0xC030]  }
0x5d: {  	v5 =	vld [tilespmem:s25+$0xC010];
	v1 =	vadd.f32 v2, v1;
	v2 =	vmul.f32 v4, v4;
	v4 =	vsub.f32 v8, v7  }
0x5e: {  	v3 =	vsel vm0, v61, v3;
	v8 =	vld [tilespmem:s25+$0x4010]  }
0x5f: {  	v3 =	vsub.f32 v3, v61;
	v7 =	vld [tilespmem:s25+$0xC020];
	v1 =	vadd.f32 v2, v1;
	v2 =	vmul.f32 v4, v4  }
0x60: {  	v11 =	vld [tilespmem:s25+$0x4020];
	vm0 =	veq.f32 v6, $0.0e+00  }
0x61: {  	v4 =	vld [tilespmem:s25+$0xC040];
	v1 =	vadd.f32 v2, v1;
	v2 =	vmul.f32 v3, v3;
	v3 =	vsel vm0, v6, v9  }
0x62: {  	vm0 =	veq.f32 v5, $0.0e+00;
	v3 =	vsub.f32 v3, v6;
	v6 =	vld [tilespmem:s25+$0x4030]  }
0x63: {  	v63 =	vld [tilespmem:s25+$0x4040];
	v9 =	vadd.f32 v2, v1;
	v2 =	vsel vm0, v5, v8  }
0x64: {  	v1 =	vld [tilespmem:s25+$0xC050];
	vm0 =	veq.f32 v7, $0.0e+00;
	v3 =	vmul.f32 v3, v3;
	v5 =	vsub.f32 v2, v5  }
0x65: {  	v8 =	vsel vm0, v7, v11;
	vm0 =	veq.f32 v10, $0.0e+00;
	v2 =	vld [tilespmem:s25+$0xC060]  }
0x66: {  	v7 =	vsub.f32 v8, v7;
	v9 =	vadd.f32 v3, v9;
	v11 =	vmul.f32 v5, v5;
	v5 =	vld [tilespmem:s25+$0x4050]  }
0x67: {  	s30 =	simm.s32 $0x8;
	s23 =	simm.s32 $0x400;
	v3 =	vld [tilespmem:s25+$0xC070];
	v6 =	vsel vm0, v10, v6;
	vm0 =	veq.f32 v4, $0.0e+00  }
0x68: {  	s31 =	sand.u32 $0x3C00, s23;
	s22 =	sand.u32 $0x380, s30;
	v8 =	vadd.f32 v11, v9;
	v9 =	vmul.f32 v7, v7;
	v7 =	vld [tilespmem:s25+$0x4060];
	v10 =	vsub.f32 v6, v10  }
0x69: {  	s21 =	sadd.s32 $0x1, s21;
	s24 =	simm.s32 $0x10;
	s22 =	sor.u32 s22, s31;
	v11 =	vsel vm0, v4, v63;
	vm0 =	veq.f32 v1, $0.0e+00;
	v6 =	vld [tilespmem:s25+$0x4070]  }
.LBB2_6:
0x6a: {  	p0 =	seq.s32 s24, $0x3F8;
	v12 =	vld [tilespmem:s22+$0xC000];
	v8 =	vadd.f32 v9, v8;
	v9 =	vmul.f32 v10, v10;
	v4 =	vsub.f32 v11, v4  }
0x6b: {  	v10 =	vld [tilespmem:s22+$0xC010];
	v5 =	vsel vm0, v1, v5;
	vm0 =	veq.f32 v2, $0.0e+00  }
0x6c: {  	v11 =	vld [tilespmem:s22+$0x4000];
	v8 =	vadd.f32 v9, v8;
	v4 =	vmul.f32 v4, v4;
	v1 =	vsub.f32 v5, v1  }
0x6d: {  	v5 =	vld [tilespmem:s22+$0xC020];
	v7 =	vsel vm0, v2, v7;
	vm0 =	veq.f32 v3, $0.0e+00  }
0x6e: {  	v9 =	vld [tilespmem:s22+$0x4010];
	v4 =	vadd.f32 v4, v8;
	v1 =	vmul.f32 v1, v1;
	v2 =	vsub.f32 v7, v2  }
0x6f: {  	v6 =	vsel vm0, v3, v6;
	vm1 =	veq.f32 v12, $0.0e+00;
	v7 =	vld [tilespmem:s22+$0xC030]  }
0x70: {  	v3 =	vsub.f32 v6, v3;
	v8 =	vld [tilespmem:s22+$0x4020];
	v1 =	vadd.f32 v1, v4;
	v2 =	vmul.f32 v2, v2  }
0x71: {  	vm0 =	veq.f32 v10, $0.0e+00;
	v6 =	vsel vm1, v12, v11;
	v4 =	vld [tilespmem:s22+$0xC040]  }
0x72: {  	v3 =	vmul.f32 v3, v3;
	v6 =	vsub.f32 v6, v12;
	v11 =	vld [tilespmem:s22+$0x4030];
	v2 =	vadd.f32 v2, v1  }
0x73: {  	v9 =	vsel vm0, v10, v9;
	vm0 =	veq.f32 v5, $0.0e+00;
	v1 =	vld [tilespmem:s22+$0xC050]  }
0x74: {  	v6 =	vmul.f32 v6, v6;
	v9 =	vsub.f32 v9, v10;
	v12 =	vld [tilespmem:s22+$0x4040];
	v3 =	vadd.f32 v3, v2  }
.Ltmp1:
0x75: {  	v8 =	vsel vm0, v5, v8;
	vm0 =	veq.f32 v7, $0.0e+00;
	v2 =	vld [tilespmem:s22+$0xC060];
	(pc) =	sbr.rel @!p0 .LBB2_6-.Ltmp1, $4  }
0x76: {  	v6 =	vadd.f32 v6, v3;
	v9 =	vmul.f32 v9, v9;
	v10 =	vsub.f32 v8, v5;
	v5 =	vld [tilespmem:s22+$0x4050]  }
0x77: {  	s23 =	sadd.s32 $0x400, s23;
	v11 =	vsel vm0, v7, v11;
	vm0 =	veq.f32 v4, $0.0e+00;
	v3 =	vld [tilespmem:s22+$0xC070]  }
0x78: {  	s26 =	sand.u32 $0x380, s24;
	s25 =	sand.u32 $0x3C00, s23;
	v8 =	vadd.f32 v9, v6;
	v9 =	vmul.f32 v10, v10;
	v10 =	vsub.f32 v11, v7;
	v7 =	vld [tilespmem:s22+$0x4060]  }
0x79: {  	s24 =	sadd.s32 $0x8, s24;
	v11 =	vsel vm0, v4, v12;
	vm0 =	veq.f32 v1, $0.0e+00;
	v6 =	vld [tilespmem:s22+$0x4070];
	s22 =	sor.u32 s26, s25  }
0x7a: {  	v12 =	vld [tilespmem:s22+$0xC000];
	v8 =	vadd.f32 v9, v8;
	v43 =	vmul.f32 v10, v10;
	v4 =	vsub.f32 v11, v4  }
0x7b: {  	v44 =	vld [tilespmem:s22+$0xC010];
	vm7 =	veq.f32 v2, $0.0e+00;
	v5 =	vsel vm0, v1, v5  }
0x7c: {  	v45 =	vld [tilespmem:s22+$0x4000];
	v8 =	vadd.f32 v43, v8;
	v4 =	vmul.f32 v4, v4;
	v1 =	vsub.f32 v5, v1  }
0x7d: {  	v46 =	vld [tilespmem:s22+$0xC020];
	vm8 =	veq.f32 v3, $0.0e+00;
	v7 =	vsel vm7, v2, v7  }
0x7e: {  	v47 =	vld [tilespmem:s22+$0x4010];
	v4 =	vadd.f32 v4, v8;
	v1 =	vmul.f32 v1, v1;
	v2 =	vsub.f32 v7, v2  }
0x7f: {  	v48 =	vld [tilespmem:s22+$0xC030];
	v6 =	vsel vm8, v3, v6;
	vm1 =	veq.f32 v12, $0.0e+00  }
0x80: {  	v49 =	vld [tilespmem:s22+$0x4020];
	v3 =	vsub.f32 v6, v3;
	v1 =	vadd.f32 v1, v4;
	v2 =	vmul.f32 v2, v2  }
0x81: {  	v51 =	vld [tilespmem:s22+$0xC040];
	vm9 =	veq.f32 v44, $0.0e+00;
	v50 =	vsel vm1, v12, v45  }
0x82: {  	v52 =	vld [tilespmem:s22+$0x4030];
	v4 =	vsub.f32 v50, v12;
	v1 =	vadd.f32 v2, v1;
	v2 =	vmul.f32 v3, v3  }
0x83: {  	v53 =	vld [tilespmem:s22+$0xC050];
	vm10 =	veq.f32 v46, $0.0e+00;
	v3 =	vsel vm9, v44, v47  }
0x84: {  	v54 =	vld [tilespmem:s22+$0x4040];
	v4 =	vmul.f32 v4, v4;
	v3 =	vsub.f32 v3, v44;
	v1 =	vadd.f32 v2, v1  }
0x85: {  	v55 =	vld [tilespmem:s22+$0xC060];
	vm11 =	veq.f32 v48, $0.0e+00;
	v2 =	vsel vm10, v46, v49  }
0x86: {  	v56 =	vld [tilespmem:s22+$0x4050];
	v3 =	vmul.f32 v3, v3;
	v2 =	vsub.f32 v2, v46;
	v1 =	vadd.f32 v4, v1  }
0x87: {  	v58 =	vld [tilespmem:s22+$0xC070];
	vm12 =	veq.f32 v51, $0.0e+00;
	v57 =	vsel vm11, v48, v52  }
0x88: {  	v59 =	vld [tilespmem:s22+$0x4060];
	v2 =	vmul.f32 v2, v2;
	v1 =	vadd.f32 v3, v1;
	v3 =	vsub.f32 v57, v48  }
0x89: {  	vm13 =	veq.f32 v53, $0.0e+00;
	v60 =	vsel vm12, v51, v54  }
0x8a: {  	v61 =	vld [tilespmem:s22+$0x4070];
	v1 =	vadd.f32 v2, v1;
	v2 =	vmul.f32 v3, v3;
	v3 =	vsub.f32 v60, v51  }
0x8b: {  	vm14 =	veq.f32 v55, $0.0e+00;
	v4 =	vsel vm13, v53, v56  }
0x8c: {  	v1 =	vadd.f32 v2, v1;
	v2 =	vmul.f32 v3, v3;
	v3 =	vsub.f32 v4, v53  }
0x8d: {  	vm15 =	veq.f32 v58, $0.0e+00;
	v62 =	vsel vm14, v55, v59  }
0x8e: {  	v1 =	vadd.f32 v2, v1;
	v2 =	vmul.f32 v3, v3;
	v3 =	vsub.f32 v62, v55  }
0x8f: {  	v63 =	vsel vm15, v58, v61  }
0x90: {  	v1 =	vadd.f32 v2, v1;
	v2 =	vmul.f32 v3, v3;
	v3 =	vsub.f32 v63, v58;
	_ =	sdelay $0x1  }
0x91: {  	v1 =	vadd.f32 v2, v1;
	v2 =	vmul.f32 v3, v3;
	_ =	sdelay $0x1  }
0x92: {  	v1 =	vadd.f32 v2, v1  }
0x93: {  	p0 =	seq.s32 s21, $0x1C  }
.Ltmp2:
0x94: {  	_ = 	snop;
	(pc) =	sbr.rel @!p0 .LBB2_3-.Ltmp2, $1  }
0x95: {  	_ =	sdelay $0x3  }
0x96: {  	[tilespmem:$0x10000] =	vst v1  }
0x97: {  	[tilespmem:$0x10010] =	vst v0  }
0x98: {  	[tilespmem:$0x10020] =	vst v0  }
0x99: {  	[tilespmem:$0x10030] =	vst v0  }
0x9a: {  	[tilespmem:$0x10040] =	vst v0  }
0x9b: {  	[tilespmem:$0x10050] =	vst v0;
	s20 =	sadd.s32 $0x1, s20  }
0x9c: {  	[tilespmem:$0x10060] =	vst v0;
	p0 =	sne.s32 s20, s11  }
.Ltmp3:
0x9d: {  	[tilespmem:$0x10070] =	vst v0;
	(pc) =	sbr.rel @p0 .LBB2_1-.Ltmp3, $4  }
0x9e: {  	[hbm4b:s10+s5] =	stream.linear.scatter [tilespmem:s19], [sflag:$0x1], $0x80, $0x38;
	[tilespmem:$0x10080] =	vst v63  }
0x9f: {  	_ =	swait.ge [sflag:s15], $0x80  }
0xa0: {  	[sflag:s15] =	ssyncset.done $0x0  }
0xa1: {  	[sflag:s15] =	ssyncadd.s32 $0xFFFFFF80  }
0xa2: {  	_ =	sfence.sel $0x180000  }
0xa3: {  	[bflag:$0x0] =	sbarrier.arrive $0xFFFF  }
0xa4: {  	p0 =	sne.s32 s0, $0x0;
	_ =	strace $0x90000047  }
0xa5: {  	s0 =	sadd.s32 @!p0 $0x100000, s2;
	[bflag:$0x2] =	sbarrier.arrive $0xFFFF  }
0xa6: {  	[sflag:s0] =	ssyncadd.tile.s32 @!p0 $0x1;
	_ =	shalt  }
.Lfunc_end2:
_tile_overlayer_lowered:
.L_overlay_start_2:
0xa7: {  	(tag) =	ssettag $0x2  }
0xa8: {  	s0 =	rddreg [dreg:$0x0];
	s2 =	stileid.u32  }
0xa9: {  	s1 =	rddreg [dreg:$0x1];
	p0 =	sne.s32 s2, $0x0  }
0xaa: {  	s3 =	rddreg [dreg:$0x2];
	[bflag:$0x3] =	sbarrier.arrive $0xFFFF;
	s2 =	simm.s32 @!p0 $0x1C05  }
0xab: {  	[timem:s3], [sflag:s2] =	dma.local @!p0 [hbm:s0], s1  }
0xac: {  	s0 =	simm.s32 @!p0 $0x5  }
0xad: {  	_ =	swait.ge @!p0 [sflag:s0], s1  }
0xae: {  	s1 =	ssub.s32 @!p0 $0x0, s1;
	[sflag:s0] =	ssyncset.done @!p0 $0x0  }
0xaf: {  	[sflag:s0] =	ssyncadd.s32 @!p0 s1  }
0xb0: {  	[bflag:$0x3] =	sbarrier.arrive $0xFFFF  }
0xb1: {  	_ =	shalt  }

</sc_bundles>
